<compile_context>
chip_gen: v7x
topology: tpu7x:2x2x1
jax: 0.10.2.dev20260603
libtpu: 0.0.44.dev20260713+nightly
codegen_flags: <defaults>
</compile_context>

<pallas_src>
import functools

import jax
import jax.numpy as jnp
from jax import lax
from jax.experimental import pallas as pl
from jax.experimental.pallas import tpu as pltpu
from jax.experimental.pallas import tpu_sc as plsc

_CH = 128
_K = 10


def _embed(idx2d, table):
    n_rows, ch = idx2d.shape
    assert ch == _CH
    n_total = n_rows * ch
    emb = table.shape[1]

    info = plsc.get_sparse_core_info()
    nc, ns = info.num_cores, info.num_subcores
    nw = nc * ns
    per_w = n_total // nw
    n_ch = per_w // _CH
    n_outer = n_ch // _K
    n_half = n_outer // 2
    assert n_outer % 2 == 0 and n_outer == n_half * 2
    blk = _K * _CH

    mesh = plsc.VectorSubcoreMesh(core_axis_name="c", subcore_axis_name="s")

    @functools.partial(
        pl.kernel,
        mesh=mesh,
        compiler_params=pltpu.CompilerParams(use_tc_tiling_on_sc=False),
        out_type=jax.ShapeDtypeStruct((n_total, emb), jnp.float32),
        scratch_types=[
            pltpu.VMEM((n_ch, _CH), jnp.int32),
            pltpu.VMEM((blk, emb), jnp.float32),
            pltpu.VMEM((blk, emb), jnp.float32),
            pltpu.SemaphoreType.DMA,
            pltpu.SemaphoreType.DMA,
            pltpu.SemaphoreType.DMA,
        ],
    )
    def k(idx_hbm, table_hbm, out_hbm, idx_v, rows0, rows1, g0, g1, ss):
        wid = lax.axis_index("s") * nc + lax.axis_index("c")
        base = wid * per_w
        pltpu.sync_copy(idx_hbm.at[pl.ds(wid * n_ch, n_ch)], idx_v)

        def fire_gathers(t, buf, sem):
            for j in range(_K):
                pltpu.async_copy(
                    table_hbm.at[idx_v.at[t * _K + j]],
                    buf.at[pl.ds(j * _CH, _CH)],
                    sem)

        def drain_gathers(buf, sem):
            pltpu.make_async_copy(out_hbm.at[pl.ds(0, blk)], buf, sem).wait()

        def fire_store(t, buf):
            pltpu.async_copy(buf, out_hbm.at[pl.ds(base + t * blk, blk)], ss)

        def wait_store(buf):
            pltpu.make_async_copy(buf, out_hbm.at[pl.ds(0, blk)], ss).wait()

        fire_gathers(0, rows0, g0)

        def body(u, _):
            t0 = 2 * u
            fire_gathers(t0 + 1, rows1, g1)
            drain_gathers(rows0, g0)
            fire_store(t0, rows0)
            wait_store(rows0)

            @pl.when(u < n_half - 1)
            def _():
                fire_gathers(t0 + 2, rows0, g0)

            drain_gathers(rows1, g1)
            fire_store(t0 + 1, rows1)
            wait_store(rows1)
            return 0

        lax.fori_loop(0, n_half, body, 0)

    return k(idx2d, table)


def kernel(words, word_seq_lens, context_emb, chars, char_seq_lens, table):
    b, l = words.shape
    n_total = b * l
    idx2d = words.reshape(n_total // _CH, _CH).astype(jnp.int32)
    out = _embed(idx2d, table)
    return out.reshape(b, l, table.shape[1])

# --- scband reference (transcript-rebuilt; emitter-appended) ---
"""Pipeline reference for scband-word-embedder-52149492908076 (READ-ONLY COPY).

The authoritative reference and input builder live on the scoring server;
editing this copy changes nothing except your own understanding.
"""

import jax, jax.numpy as jnp
import numpy as np

VOCAB = 1000000
EMB = 32
B = 4096
L = 200

def setup_inputs(seed: int = 0) -> dict:
    key = jax.random.key(seed)
    k1, k2, k3 = jax.random.split(key, 3)
    words = jax.random.randint(k1, (B, L), 0, VOCAB)
    word_seq_lens = jax.random.randint(k2, (B, 1), 1, L + 1)
    context_emb = jnp.zeros((B, L, 1), dtype=jnp.float32)
    chars = jnp.zeros((1, 1), dtype=jnp.int32)
    char_seq_lens = jnp.ones((1, 1), dtype=jnp.int32)
    table = jax.random.normal(k3, (VOCAB, EMB), dtype=jnp.float32) * 0.02
    return {"words": words, "word_seq_lens": word_seq_lens, "context_emb": context_emb, "chars": chars, "char_seq_lens": char_seq_lens, "table": table}

def reference(words, word_seq_lens, context_emb, chars, char_seq_lens, table):
    # static_context_emb == ContextEmb.none and use_char_rnn == False, dropout p=0.0
    # so forward reduces to: word_rep = dropout(word_embedding(words)) == table[words]
    word_emb = jnp.take(table, words, axis=0)
    word_rep = word_emb  # dropout with p=0.0 is identity
    return word_rep

if __name__ == "__main__":
    import jax
    _d = setup_inputs()
    print(jax.jit(kernel)(*tuple(_d.values())))

</pallas_src>

<mosaic_0001>
#map = affine_map<(d0, d1) -> (0, 0)>
module attributes {stable_mosaic.version = 14 : i64} {
  func.func @k(%arg0: i32, %arg1: i32, %arg2: memref<6400x128xi32, #tpu.memory_space<hbm>>, %arg3: memref<1000000x32xf32, #tpu.memory_space<hbm>>, %arg4: memref<819200x32xf32, #tpu.memory_space<hbm>>, %arg5: memref<200x128xi32, #tpu.memory_space<vmem>>, %arg6: memref<1280x32xf32, #tpu.memory_space<vmem>>, %arg7: memref<1280x32xf32, #tpu.memory_space<vmem>>, %arg8: memref<!tpu.dma_semaphore, #tpu.memory_space<semaphore_mem>>, %arg9: memref<!tpu.dma_semaphore, #tpu.memory_space<semaphore_mem>>, %arg10: memref<!tpu.dma_semaphore, #tpu.memory_space<semaphore_mem>>) attributes {dimension_semantics = [#tpu.dimension_semantics<core_parallel>, #tpu.dimension_semantics<subcore_parallel>], iteration_bounds = array<i64: 2, 16>, scalar_prefetch = 0 : i64, scratch_operands = 6 : i64, tpu.core_type = #tpu.core_type<sc_vector_subcore>, window_params = [{transform_indices = #map}, {transform_indices = #map}, {transform_indices = #map}]} {
    %mul3A = arith.constant 2 : i32
    %mul3A_0 = arith.muli %arg1, %mul3A : i32
    %add3A = arith.addi %mul3A_0, %arg0 : i32
    %mul3A_1 = arith.constant 25600 : i32
    %mul3A_2 = arith.muli %add3A, %mul3A_1 : i32
    %mul3A_3 = arith.constant 200 : i32
    %mul3A_4 = arith.muli %add3A, %mul3A_3 : i32
    "tpu.region"() ({
      %run_scoped3A = tpu.sem_alloc : memref<!tpu.dma_semaphore, #tpu.memory_space<semaphore_mem>>
      %dma_start3A_110 = arith.constant 0 : i32
      %dma_start3A_111 = tpu.memref_slice %arg2[%mul3A_4, %dma_start3A_110] : memref<6400x128xi32, #tpu.memory_space<hbm>> -> memref<200x128xi32, #tpu.memory_space<hbm>>
      %dma_start3A_112 = arith.constant 0 : i32
      %dma_start3A_113 = tpu.memref_slice %arg2[%mul3A_4, %dma_start3A_112] : memref<6400x128xi32, #tpu.memory_space<hbm>> -> memref<200x128xi32, #tpu.memory_space<hbm>>
      tpu.enqueue_dma source(%dma_start3A_113 : memref<200x128xi32, #tpu.memory_space<hbm>>) target(%arg5 : memref<200x128xi32, #tpu.memory_space<vmem>>) target_semaphore(%run_scoped3A : memref<!tpu.dma_semaphore, #tpu.memory_space<semaphore_mem>>)
      %dma_wait3A = arith.constant 0 : i32
      %dma_wait3A_114 = tpu.memref_slice %arg2[%mul3A_4, %dma_wait3A] : memref<6400x128xi32, #tpu.memory_space<hbm>> -> memref<200x128xi32, #tpu.memory_space<hbm>>
      %dma_wait3A_115 = arith.constant 0 : i32
      %dma_wait3A_116 = tpu.memref_slice %arg2[%mul3A_4, %dma_wait3A_115] : memref<6400x128xi32, #tpu.memory_space<hbm>> -> memref<200x128xi32, #tpu.memory_space<hbm>>
      tpu.wait_dma2 semaphore(%run_scoped3A : memref<!tpu.dma_semaphore, #tpu.memory_space<semaphore_mem>>) src(%dma_wait3A_116 : memref<200x128xi32, #tpu.memory_space<hbm>>) dst(%arg5 : memref<200x128xi32, #tpu.memory_space<vmem>>)
      tpu.yield
    }) : () -> ()
    %dma_start3A = arith.constant 0 : i32
    %dma_start3A_5 = arith.constant 0 : i32
    %dma_start3A_6 = arith.constant 0 : i32
    %dma_start3A_7 = tpu.memref_slice %arg6[%dma_start3A_5, %dma_start3A_6] : memref<1280x32xf32, #tpu.memory_space<vmem>> -> memref<128x32xf32, #tpu.memory_space<vmem>>
    %dma_start3A_8 = arith.constant 0 : i32
    %dma_start3A_9 = tpu.memref_slice %arg5[%dma_start3A, %dma_start3A_8] : memref<200x128xi32, #tpu.memory_space<vmem>> -> memref<1x128xi32, #tpu.memory_space<vmem>>
    %dma_start3A_10 = tpu.memref_squeeze %dma_start3A_9 : memref<1x128xi32, #tpu.memory_space<vmem>> -> memref<128xi32, #tpu.memory_space<vmem>>
    %dma_start3A_11 = arith.constant 0 : i32
    %dma_start3A_12 = arith.constant 0 : i32
    %dma_start3A_13 = tpu.memref_slice %arg3[%dma_start3A_11, %dma_start3A_12] : memref<1000000x32xf32, #tpu.memory_space<hbm>> -> memref<1000000x32xf32, #tpu.memory_space<hbm>>
    tpu.enqueue_indirect_dma source(%dma_start3A_13 : memref<1000000x32xf32, #tpu.memory_space<hbm>>) target(%dma_start3A_7 : memref<128x32xf32, #tpu.memory_space<vmem>>) offsets(%dma_start3A_10 : memref<128xi32, #tpu.memory_space<vmem>>) semaphore(%arg8 : memref<!tpu.dma_semaphore, #tpu.memory_space<semaphore_mem>>)
    %dma_start3A_14 = arith.constant 1 : i32
    %dma_start3A_15 = arith.constant 128 : i32
    %dma_start3A_16 = arith.constant 0 : i32
    %dma_start3A_17 = tpu.memref_slice %arg6[%dma_start3A_15, %dma_start3A_16] : memref<1280x32xf32, #tpu.memory_space<vmem>> -> memref<128x32xf32, #tpu.memory_space<vmem>>
    %dma_start3A_18 = arith.constant 0 : i32
    %dma_start3A_19 = tpu.memref_slice %arg5[%dma_start3A_14, %dma_start3A_18] : memref<200x128xi32, #tpu.memory_space<vmem>> -> memref<1x128xi32, #tpu.memory_space<vmem>>
    %dma_start3A_20 = tpu.memref_squeeze %dma_start3A_19 : memref<1x128xi32, #tpu.memory_space<vmem>> -> memref<128xi32, #tpu.memory_space<vmem>>
    %dma_start3A_21 = arith.constant 0 : i32
    %dma_start3A_22 = arith.constant 0 : i32
    %dma_start3A_23 = tpu.memref_slice %arg3[%dma_start3A_21, %dma_start3A_22] : memref<1000000x32xf32, #tpu.memory_space<hbm>> -> memref<1000000x32xf32, #tpu.memory_space<hbm>>
    tpu.enqueue_indirect_dma source(%dma_start3A_23 : memref<1000000x32xf32, #tpu.memory_space<hbm>>) target(%dma_start3A_17 : memref<128x32xf32, #tpu.memory_space<vmem>>) offsets(%dma_start3A_20 : memref<128xi32, #tpu.memory_space<vmem>>) semaphore(%arg8 : memref<!tpu.dma_semaphore, #tpu.memory_space<semaphore_mem>>)
    %dma_start3A_24 = arith.constant 2 : i32
    %dma_start3A_25 = arith.constant 256 : i32
    %dma_start3A_26 = arith.constant 0 : i32
    %dma_start3A_27 = tpu.memref_slice %arg6[%dma_start3A_25, %dma_start3A_26] : memref<1280x32xf32, #tpu.memory_space<vmem>> -> memref<128x32xf32, #tpu.memory_space<vmem>>
    %dma_start3A_28 = arith.constant 0 : i32
    %dma_start3A_29 = tpu.memref_slice %arg5[%dma_start3A_24, %dma_start3A_28] : memref<200x128xi32, #tpu.memory_space<vmem>> -> memref<1x128xi32, #tpu.memory_space<vmem>>
    %dma_start3A_30 = tpu.memref_squeeze %dma_start3A_29 : memref<1x128xi32, #tpu.memory_space<vmem>> -> memref<128xi32, #tpu.memory_space<vmem>>
    %dma_start3A_31 = arith.constant 0 : i32
    %dma_start3A_32 = arith.constant 0 : i32
    %dma_start3A_33 = tpu.memref_slice %arg3[%dma_start3A_31, %dma_start3A_32] : memref<1000000x32xf32, #tpu.memory_space<hbm>> -> memref<1000000x32xf32, #tpu.memory_space<hbm>>
    tpu.enqueue_indirect_dma source(%dma_start3A_33 : memref<1000000x32xf32, #tpu.memory_space<hbm>>) target(%dma_start3A_27 : memref<128x32xf32, #tpu.memory_space<vmem>>) offsets(%dma_start3A_30 : memref<128xi32, #tpu.memory_space<vmem>>) semaphore(%arg8 : memref<!tpu.dma_semaphore, #tpu.memory_space<semaphore_mem>>)
    %dma_start3A_34 = arith.constant 3 : i32
    %dma_start3A_35 = arith.constant 384 : i32
    %dma_start3A_36 = arith.constant 0 : i32
    %dma_start3A_37 = tpu.memref_slice %arg6[%dma_start3A_35, %dma_start3A_36] : memref<1280x32xf32, #tpu.memory_space<vmem>> -> memref<128x32xf32, #tpu.memory_space<vmem>>
    %dma_start3A_38 = arith.constant 0 : i32
    %dma_start3A_39 = tpu.memref_slice %arg5[%dma_start3A_34, %dma_start3A_38] : memref<200x128xi32, #tpu.memory_space<vmem>> -> memref<1x128xi32, #tpu.memory_space<vmem>>
    %dma_start3A_40 = tpu.memref_squeeze %dma_start3A_39 : memref<1x128xi32, #tpu.memory_space<vmem>> -> memref<128xi32, #tpu.memory_space<vmem>>
    %dma_start3A_41 = arith.constant 0 : i32
    %dma_start3A_42 = arith.constant 0 : i32
    %dma_start3A_43 = tpu.memref_slice %arg3[%dma_start3A_41, %dma_start3A_42] : memref<1000000x32xf32, #tpu.memory_space<hbm>> -> memref<1000000x32xf32, #tpu.memory_space<hbm>>
    tpu.enqueue_indirect_dma source(%dma_start3A_43 : memref<1000000x32xf32, #tpu.memory_space<hbm>>) target(%dma_start3A_37 : memref<128x32xf32, #tpu.memory_space<vmem>>) offsets(%dma_start3A_40 : memref<128xi32, #tpu.memory_space<vmem>>) semaphore(%arg8 : memref<!tpu.dma_semaphore, #tpu.memory_space<semaphore_mem>>)
    %dma_start3A_44 = arith.constant 4 : i32
    %dma_start3A_45 = arith.constant 512 : i32
    %dma_start3A_46 = arith.constant 0 : i32
    %dma_start3A_47 = tpu.memref_slice %arg6[%dma_start3A_45, %dma_start3A_46] : memref<1280x32xf32, #tpu.memory_space<vmem>> -> memref<128x32xf32, #tpu.memory_space<vmem>>
    %dma_start3A_48 = arith.constant 0 : i32
    %dma_start3A_49 = tpu.memref_slice %arg5[%dma_start3A_44, %dma_start3A_48] : memref<200x128xi32, #tpu.memory_space<vmem>> -> memref<1x128xi32, #tpu.memory_space<vmem>>
    %dma_start3A_50 = tpu.memref_squeeze %dma_start3A_49 : memref<1x128xi32, #tpu.memory_space<vmem>> -> memref<128xi32, #tpu.memory_space<vmem>>
    %dma_start3A_51 = arith.constant 0 : i32
    %dma_start3A_52 = arith.constant 0 : i32
    %dma_start3A_53 = tpu.memref_slice %arg3[%dma_start3A_51, %dma_start3A_52] : memref<1000000x32xf32, #tpu.memory_space<hbm>> -> memref<1000000x32xf32, #tpu.memory_space<hbm>>
    tpu.enqueue_indirect_dma source(%dma_start3A_53 : memref<1000000x32xf32, #tpu.memory_space<hbm>>) target(%dma_start3A_47 : memref<128x32xf32, #tpu.memory_space<vmem>>) offsets(%dma_start3A_50 : memref<128xi32, #tpu.memory_space<vmem>>) semaphore(%arg8 : memref<!tpu.dma_semaphore, #tpu.memory_space<semaphore_mem>>)
    %dma_start3A_54 = arith.constant 5 : i32
    %dma_start3A_55 = arith.constant 640 : i32
    %dma_start3A_56 = arith.constant 0 : i32
    %dma_start3A_57 = tpu.memref_slice %arg6[%dma_start3A_55, %dma_start3A_56] : memref<1280x32xf32, #tpu.memory_space<vmem>> -> memref<128x32xf32, #tpu.memory_space<vmem>>
    %dma_start3A_58 = arith.constant 0 : i32
    %dma_start3A_59 = tpu.memref_slice %arg5[%dma_start3A_54, %dma_start3A_58] : memref<200x128xi32, #tpu.memory_space<vmem>> -> memref<1x128xi32, #tpu.memory_space<vmem>>
    %dma_start3A_60 = tpu.memref_squeeze %dma_start3A_59 : memref<1x128xi32, #tpu.memory_space<vmem>> -> memref<128xi32, #tpu.memory_space<vmem>>
    %dma_start3A_61 = arith.constant 0 : i32
    %dma_start3A_62 = arith.constant 0 : i32
    %dma_start3A_63 = tpu.memref_slice %arg3[%dma_start3A_61, %dma_start3A_62] : memref<1000000x32xf32, #tpu.memory_space<hbm>> -> memref<1000000x32xf32, #tpu.memory_space<hbm>>
    tpu.enqueue_indirect_dma source(%dma_start3A_63 : memref<1000000x32xf32, #tpu.memory_space<hbm>>) target(%dma_start3A_57 : memref<128x32xf32, #tpu.memory_space<vmem>>) offsets(%dma_start3A_60 : memref<128xi32, #tpu.memory_space<vmem>>) semaphore(%arg8 : memref<!tpu.dma_semaphore, #tpu.memory_space<semaphore_mem>>)
    %dma_start3A_64 = arith.constant 6 : i32
    %dma_start3A_65 = arith.constant 768 : i32
    %dma_start3A_66 = arith.constant 0 : i32
    %dma_start3A_67 = tpu.memref_slice %arg6[%dma_start3A_65, %dma_start3A_66] : memref<1280x32xf32, #tpu.memory_space<vmem>> -> memref<128x32xf32, #tpu.memory_space<vmem>>
    %dma_start3A_68 = arith.constant 0 : i32
    %dma_start3A_69 = tpu.memref_slice %arg5[%dma_start3A_64, %dma_start3A_68] : memref<200x128xi32, #tpu.memory_space<vmem>> -> memref<1x128xi32, #tpu.memory_space<vmem>>
    %dma_start3A_70 = tpu.memref_squeeze %dma_start3A_69 : memref<1x128xi32, #tpu.memory_space<vmem>> -> memref<128xi32, #tpu.memory_space<vmem>>
    %dma_start3A_71 = arith.constant 0 : i32
    %dma_start3A_72 = arith.constant 0 : i32
    %dma_start3A_73 = tpu.memref_slice %arg3[%dma_start3A_71, %dma_start3A_72] : memref<1000000x32xf32, #tpu.memory_space<hbm>> -> memref<1000000x32xf32, #tpu.memory_space<hbm>>
    tpu.enqueue_indirect_dma source(%dma_start3A_73 : memref<1000000x32xf32, #tpu.memory_space<hbm>>) target(%dma_start3A_67 : memref<128x32xf32, #tpu.memory_space<vmem>>) offsets(%dma_start3A_70 : memref<128xi32, #tpu.memory_space<vmem>>) semaphore(%arg8 : memref<!tpu.dma_semaphore, #tpu.memory_space<semaphore_mem>>)
    %dma_start3A_74 = arith.constant 7 : i32
    %dma_start3A_75 = arith.constant 896 : i32
    %dma_start3A_76 = arith.constant 0 : i32
    %dma_start3A_77 = tpu.memref_slice %arg6[%dma_start3A_75, %dma_start3A_76] : memref<1280x32xf32, #tpu.memory_space<vmem>> -> memref<128x32xf32, #tpu.memory_space<vmem>>
    %dma_start3A_78 = arith.constant 0 : i32
    %dma_start3A_79 = tpu.memref_slice %arg5[%dma_start3A_74, %dma_start3A_78] : memref<200x128xi32, #tpu.memory_space<vmem>> -> memref<1x128xi32, #tpu.memory_space<vmem>>
    %dma_start3A_80 = tpu.memref_squeeze %dma_start3A_79 : memref<1x128xi32, #tpu.memory_space<vmem>> -> memref<128xi32, #tpu.memory_space<vmem>>
    %dma_start3A_81 = arith.constant 0 : i32
    %dma_start3A_82 = arith.constant 0 : i32
    %dma_start3A_83 = tpu.memref_slice %arg3[%dma_start3A_81, %dma_start3A_82] : memref<1000000x32xf32, #tpu.memory_space<hbm>> -> memref<1000000x32xf32, #tpu.memory_space<hbm>>
    tpu.enqueue_indirect_dma source(%dma_start3A_83 : memref<1000000x32xf32, #tpu.memory_space<hbm>>) target(%dma_start3A_77 : memref<128x32xf32, #tpu.memory_space<vmem>>) offsets(%dma_start3A_80 : memref<128xi32, #tpu.memory_space<vmem>>) semaphore(%arg8 : memref<!tpu.dma_semaphore, #tpu.memory_space<semaphore_mem>>)
    %dma_start3A_84 = arith.constant 8 : i32
    %dma_start3A_85 = arith.constant 1024 : i32
    %dma_start3A_86 = arith.constant 0 : i32
    %dma_start3A_87 = tpu.memref_slice %arg6[%dma_start3A_85, %dma_start3A_86] : memref<1280x32xf32, #tpu.memory_space<vmem>> -> memref<128x32xf32, #tpu.memory_space<vmem>>
    %dma_start3A_88 = arith.constant 0 : i32
    %dma_start3A_89 = tpu.memref_slice %arg5[%dma_start3A_84, %dma_start3A_88] : memref<200x128xi32, #tpu.memory_space<vmem>> -> memref<1x128xi32, #tpu.memory_space<vmem>>
    %dma_start3A_90 = tpu.memref_squeeze %dma_start3A_89 : memref<1x128xi32, #tpu.memory_space<vmem>> -> memref<128xi32, #tpu.memory_space<vmem>>
    %dma_start3A_91 = arith.constant 0 : i32
    %dma_start3A_92 = arith.constant 0 : i32
    %dma_start3A_93 = tpu.memref_slice %arg3[%dma_start3A_91, %dma_start3A_92] : memref<1000000x32xf32, #tpu.memory_space<hbm>> -> memref<1000000x32xf32, #tpu.memory_space<hbm>>
    tpu.enqueue_indirect_dma source(%dma_start3A_93 : memref<1000000x32xf32, #tpu.memory_space<hbm>>) target(%dma_start3A_87 : memref<128x32xf32, #tpu.memory_space<vmem>>) offsets(%dma_start3A_90 : memref<128xi32, #tpu.memory_space<vmem>>) semaphore(%arg8 : memref<!tpu.dma_semaphore, #tpu.memory_space<semaphore_mem>>)
    %dma_start3A_94 = arith.constant 9 : i32
    %dma_start3A_95 = arith.constant 1152 : i32
    %dma_start3A_96 = arith.constant 0 : i32
    %dma_start3A_97 = tpu.memref_slice %arg6[%dma_start3A_95, %dma_start3A_96] : memref<1280x32xf32, #tpu.memory_space<vmem>> -> memref<128x32xf32, #tpu.memory_space<vmem>>
    %dma_start3A_98 = arith.constant 0 : i32
    %dma_start3A_99 = tpu.memref_slice %arg5[%dma_start3A_94, %dma_start3A_98] : memref<200x128xi32, #tpu.memory_space<vmem>> -> memref<1x128xi32, #tpu.memory_space<vmem>>
    %dma_start3A_100 = tpu.memref_squeeze %dma_start3A_99 : memref<1x128xi32, #tpu.memory_space<vmem>> -> memref<128xi32, #tpu.memory_space<vmem>>
    %dma_start3A_101 = arith.constant 0 : i32
    %dma_start3A_102 = arith.constant 0 : i32
    %dma_start3A_103 = tpu.memref_slice %arg3[%dma_start3A_101, %dma_start3A_102] : memref<1000000x32xf32, #tpu.memory_space<hbm>> -> memref<1000000x32xf32, #tpu.memory_space<hbm>>
    tpu.enqueue_indirect_dma source(%dma_start3A_103 : memref<1000000x32xf32, #tpu.memory_space<hbm>>) target(%dma_start3A_97 : memref<128x32xf32, #tpu.memory_space<vmem>>) offsets(%dma_start3A_100 : memref<128xi32, #tpu.memory_space<vmem>>) semaphore(%arg8 : memref<!tpu.dma_semaphore, #tpu.memory_space<semaphore_mem>>)
    %scan3A = arith.constant 0 : i32
    %scan3A_104 = arith.constant 0 : i32
    %scan3A_105 = arith.constant 10 : i32
    %scan3A_106 = arith.addi %scan3A_104, %scan3A_105 : i32
    %scan3A_107 = arith.constant 1 : i32
    %scan3A_108 = scf.for %scan3A_110 = %scan3A_104 to %scan3A_106 step %scan3A_107 iter_args(%scan3A_111 = %scan3A) -> (i32)  : i32 {
      %mul3A_112 = arith.constant 2 : i32
      %mul3A_113 = arith.muli %mul3A_112, %scan3A_110 : i32
      %add3A_114 = arith.constant 1 : i32
      %add3A_115 = arith.addi %mul3A_113, %add3A_114 : i32
      %mul3A_116 = arith.constant 10 : i32
      %mul3A_117 = arith.muli %add3A_115, %mul3A_116 : i32
      %add3A_118 = arith.constant 0 : i32
      %add3A_119 = arith.addi %mul3A_117, %add3A_118 : i32
      %dma_start3A_120 = arith.constant 0 : i32
      %dma_start3A_121 = arith.constant 0 : i32
      %dma_start3A_122 = tpu.memref_slice %arg7[%dma_start3A_120, %dma_start3A_121] : memref<1280x32xf32, #tpu.memory_space<vmem>> -> memref<128x32xf32, #tpu.memory_space<vmem>>
      %dma_start3A_123 = arith.constant 0 : i32
      %dma_start3A_124 = tpu.memref_slice %arg5[%add3A_119, %dma_start3A_123] : memref<200x128xi32, #tpu.memory_space<vmem>> -> memref<1x128xi32, #tpu.memory_space<vmem>>
      %dma_start3A_125 = tpu.memref_squeeze %dma_start3A_124 : memref<1x128xi32, #tpu.memory_space<vmem>> -> memref<128xi32, #tpu.memory_space<vmem>>
      %dma_start3A_126 = arith.constant 0 : i32
      %dma_start3A_127 = arith.constant 0 : i32
      %dma_start3A_128 = tpu.memref_slice %arg3[%dma_start3A_126, %dma_start3A_127] : memref<1000000x32xf32, #tpu.memory_space<hbm>> -> memref<1000000x32xf32, #tpu.memory_space<hbm>>
      tpu.enqueue_indirect_dma source(%dma_start3A_128 : memref<1000000x32xf32, #tpu.memory_space<hbm>>) target(%dma_start3A_122 : memref<128x32xf32, #tpu.memory_space<vmem>>) offsets(%dma_start3A_125 : memref<128xi32, #tpu.memory_space<vmem>>) semaphore(%arg9 : memref<!tpu.dma_semaphore, #tpu.memory_space<semaphore_mem>>)
      %mul3A_129 = arith.constant 10 : i32
      %mul3A_130 = arith.muli %add3A_115, %mul3A_129 : i32
      %add3A_131 = arith.constant 1 : i32
      %add3A_132 = arith.addi %mul3A_130, %add3A_131 : i32
      %dma_start3A_133 = arith.constant 128 : i32
      %dma_start3A_134 = arith.constant 0 : i32
      %dma_start3A_135 = tpu.memref_slice %arg7[%dma_start3A_133, %dma_start3A_134] : memref<1280x32xf32, #tpu.memory_space<vmem>> -> memref<128x32xf32, #tpu.memory_space<vmem>>
      %dma_start3A_136 = arith.constant 0 : i32
      %dma_start3A_137 = tpu.memref_slice %arg5[%add3A_132, %dma_start3A_136] : memref<200x128xi32, #tpu.memory_space<vmem>> -> memref<1x128xi32, #tpu.memory_space<vmem>>
      %dma_start3A_138 = tpu.memref_squeeze %dma_start3A_137 : memref<1x128xi32, #tpu.memory_space<vmem>> -> memref<128xi32, #tpu.memory_space<vmem>>
      %dma_start3A_139 = arith.constant 0 : i32
      %dma_start3A_140 = arith.constant 0 : i32
      %dma_start3A_141 = tpu.memref_slice %arg3[%dma_start3A_139, %dma_start3A_140] : memref<1000000x32xf32, #tpu.memory_space<hbm>> -> memref<1000000x32xf32, #tpu.memory_space<hbm>>
      tpu.enqueue_indirect_dma source(%dma_start3A_141 : memref<1000000x32xf32, #tpu.memory_space<hbm>>) target(%dma_start3A_135 : memref<128x32xf32, #tpu.memory_space<vmem>>) offsets(%dma_start3A_138 : memref<128xi32, #tpu.memory_space<vmem>>) semaphore(%arg9 : memref<!tpu.dma_semaphore, #tpu.memory_space<semaphore_mem>>)
      %mul3A_142 = arith.constant 10 : i32
      %mul3A_143 = arith.muli %add3A_115, %mul3A_142 : i32
      %add3A_144 = arith.constant 2 : i32
      %add3A_145 = arith.addi %mul3A_143, %add3A_144 : i32
      %dma_start3A_146 = arith.constant 256 : i32
      %dma_start3A_147 = arith.constant 0 : i32
      %dma_start3A_148 = tpu.memref_slice %arg7[%dma_start3A_146, %dma_start3A_147] : memref<1280x32xf32, #tpu.memory_space<vmem>> -> memref<128x32xf32, #tpu.memory_space<vmem>>
      %dma_start3A_149 = arith.constant 0 : i32
      %dma_start3A_150 = tpu.memref_slice %arg5[%add3A_145, %dma_start3A_149] : memref<200x128xi32, #tpu.memory_space<vmem>> -> memref<1x128xi32, #tpu.memory_space<vmem>>
      %dma_start3A_151 = tpu.memref_squeeze %dma_start3A_150 : memref<1x128xi32, #tpu.memory_space<vmem>> -> memref<128xi32, #tpu.memory_space<vmem>>
      %dma_start3A_152 = arith.constant 0 : i32
      %dma_start3A_153 = arith.constant 0 : i32
      %dma_start3A_154 = tpu.memref_slice %arg3[%dma_start3A_152, %dma_start3A_153] : memref<1000000x32xf32, #tpu.memory_space<hbm>> -> memref<1000000x32xf32, #tpu.memory_space<hbm>>
      tpu.enqueue_indirect_dma source(%dma_start3A_154 : memref<1000000x32xf32, #tpu.memory_space<hbm>>) target(%dma_start3A_148 : memref<128x32xf32, #tpu.memory_space<vmem>>) offsets(%dma_start3A_151 : memref<128xi32, #tpu.memory_space<vmem>>) semaphore(%arg9 : memref<!tpu.dma_semaphore, #tpu.memory_space<semaphore_mem>>)
      %mul3A_155 = arith.constant 10 : i32
      %mul3A_156 = arith.muli %add3A_115, %mul3A_155 : i32
      %add3A_157 = arith.constant 3 : i32
      %add3A_158 = arith.addi %mul3A_156, %add3A_157 : i32
      %dma_start3A_159 = arith.constant 384 : i32
      %dma_start3A_160 = arith.constant 0 : i32
      %dma_start3A_161 = tpu.memref_slice %arg7[%dma_start3A_159, %dma_start3A_160] : memref<1280x32xf32, #tpu.memory_space<vmem>> -> memref<128x32xf32, #tpu.memory_space<vmem>>
      %dma_start3A_162 = arith.constant 0 : i32
      %dma_start3A_163 = tpu.memref_slice %arg5[%add3A_158, %dma_start3A_162] : memref<200x128xi32, #tpu.memory_space<vmem>> -> memref<1x128xi32, #tpu.memory_space<vmem>>
      %dma_start3A_164 = tpu.memref_squeeze %dma_start3A_163 : memref<1x128xi32, #tpu.memory_space<vmem>> -> memref<128xi32, #tpu.memory_space<vmem>>
      %dma_start3A_165 = arith.constant 0 : i32
      %dma_start3A_166 = arith.constant 0 : i32
      %dma_start3A_167 = tpu.memref_slice %arg3[%dma_start3A_165, %dma_start3A_166] : memref<1000000x32xf32, #tpu.memory_space<hbm>> -> memref<1000000x32xf32, #tpu.memory_space<hbm>>
      tpu.enqueue_indirect_dma source(%dma_start3A_167 : memref<1000000x32xf32, #tpu.memory_space<hbm>>) target(%dma_start3A_161 : memref<128x32xf32, #tpu.memory_space<vmem>>) offsets(%dma_start3A_164 : memref<128xi32, #tpu.memory_space<vmem>>) semaphore(%arg9 : memref<!tpu.dma_semaphore, #tpu.memory_space<semaphore_mem>>)
      %mul3A_168 = arith.constant 10 : i32
      %mul3A_169 = arith.muli %add3A_115, %mul3A_168 : i32
      %add3A_170 = arith.constant 4 : i32
      %add3A_171 = arith.addi %mul3A_169, %add3A_170 : i32
      %dma_start3A_172 = arith.constant 512 : i32
      %dma_start3A_173 = arith.constant 0 : i32
      %dma_start3A_174 = tpu.memref_slice %arg7[%dma_start3A_172, %dma_start3A_173] : memref<1280x32xf32, #tpu.memory_space<vmem>> -> memref<128x32xf32, #tpu.memory_space<vmem>>
      %dma_start3A_175 = arith.constant 0 : i32
      %dma_start3A_176 = tpu.memref_slice %arg5[%add3A_171, %dma_start3A_175] : memref<200x128xi32, #tpu.memory_space<vmem>> -> memref<1x128xi32, #tpu.memory_space<vmem>>
      %dma_start3A_177 = tpu.memref_squeeze %dma_start3A_176 : memref<1x128xi32, #tpu.memory_space<vmem>> -> memref<128xi32, #tpu.memory_space<vmem>>
      %dma_start3A_178 = arith.constant 0 : i32
      %dma_start3A_179 = arith.constant 0 : i32
      %dma_start3A_180 = tpu.memref_slice %arg3[%dma_start3A_178, %dma_start3A_179] : memref<1000000x32xf32, #tpu.memory_space<hbm>> -> memref<1000000x32xf32, #tpu.memory_space<hbm>>
      tpu.enqueue_indirect_dma source(%dma_start3A_180 : memref<1000000x32xf32, #tpu.memory_space<hbm>>) target(%dma_start3A_174 : memref<128x32xf32, #tpu.memory_space<vmem>>) offsets(%dma_start3A_177 : memref<128xi32, #tpu.memory_space<vmem>>) semaphore(%arg9 : memref<!tpu.dma_semaphore, #tpu.memory_space<semaphore_mem>>)
      %mul3A_181 = arith.constant 10 : i32
      %mul3A_182 = arith.muli %add3A_115, %mul3A_181 : i32
      %add3A_183 = arith.constant 5 : i32
      %add3A_184 = arith.addi %mul3A_182, %add3A_183 : i32
      %dma_start3A_185 = arith.constant 640 : i32
      %dma_start3A_186 = arith.constant 0 : i32
      %dma_start3A_187 = tpu.memref_slice %arg7[%dma_start3A_185, %dma_start3A_186] : memref<1280x32xf32, #tpu.memory_space<vmem>> -> memref<128x32xf32, #tpu.memory_space<vmem>>
      %dma_start3A_188 = arith.constant 0 : i32
      %dma_start3A_189 = tpu.memref_slice %arg5[%add3A_184, %dma_start3A_188] : memref<200x128xi32, #tpu.memory_space<vmem>> -> memref<1x128xi32, #tpu.memory_space<vmem>>
      %dma_start3A_190 = tpu.memref_squeeze %dma_start3A_189 : memref<1x128xi32, #tpu.memory_space<vmem>> -> memref<128xi32, #tpu.memory_space<vmem>>
      %dma_start3A_191 = arith.constant 0 : i32
      %dma_start3A_192 = arith.constant 0 : i32
      %dma_start3A_193 = tpu.memref_slice %arg3[%dma_start3A_191, %dma_start3A_192] : memref<1000000x32xf32, #tpu.memory_space<hbm>> -> memref<1000000x32xf32, #tpu.memory_space<hbm>>
      tpu.enqueue_indirect_dma source(%dma_start3A_193 : memref<1000000x32xf32, #tpu.memory_space<hbm>>) target(%dma_start3A_187 : memref<128x32xf32, #tpu.memory_space<vmem>>) offsets(%dma_start3A_190 : memref<128xi32, #tpu.memory_space<vmem>>) semaphore(%arg9 : memref<!tpu.dma_semaphore, #tpu.memory_space<semaphore_mem>>)
      %mul3A_194 = arith.constant 10 : i32
      %mul3A_195 = arith.muli %add3A_115, %mul3A_194 : i32
      %add3A_196 = arith.constant 6 : i32
      %add3A_197 = arith.addi %mul3A_195, %add3A_196 : i32
      %dma_start3A_198 = arith.constant 768 : i32
      %dma_start3A_199 = arith.constant 0 : i32
      %dma_start3A_200 = tpu.memref_slice %arg7[%dma_start3A_198, %dma_start3A_199] : memref<1280x32xf32, #tpu.memory_space<vmem>> -> memref<128x32xf32, #tpu.memory_space<vmem>>
      %dma_start3A_201 = arith.constant 0 : i32
      %dma_start3A_202 = tpu.memref_slice %arg5[%add3A_197, %dma_start3A_201] : memref<200x128xi32, #tpu.memory_space<vmem>> -> memref<1x128xi32, #tpu.memory_space<vmem>>
      %dma_start3A_203 = tpu.memref_squeeze %dma_start3A_202 : memref<1x128xi32, #tpu.memory_space<vmem>> -> memref<128xi32, #tpu.memory_space<vmem>>
      %dma_start3A_204 = arith.constant 0 : i32
      %dma_start3A_205 = arith.constant 0 : i32
      %dma_start3A_206 = tpu.memref_slice %arg3[%dma_start3A_204, %dma_start3A_205] : memref<1000000x32xf32, #tpu.memory_space<hbm>> -> memref<1000000x32xf32, #tpu.memory_space<hbm>>
      tpu.enqueue_indirect_dma source(%dma_start3A_206 : memref<1000000x32xf32, #tpu.memory_space<hbm>>) target(%dma_start3A_200 : memref<128x32xf32, #tpu.memory_space<vmem>>) offsets(%dma_start3A_203 : memref<128xi32, #tpu.memory_space<vmem>>) semaphore(%arg9 : memref<!tpu.dma_semaphore, #tpu.memory_space<semaphore_mem>>)
      %mul3A_207 = arith.constant 10 : i32
      %mul3A_208 = arith.muli %add3A_115, %mul3A_207 : i32
      %add3A_209 = arith.constant 7 : i32
      %add3A_210 = arith.addi %mul3A_208, %add3A_209 : i32
      %dma_start3A_211 = arith.constant 896 : i32
      %dma_start3A_212 = arith.constant 0 : i32
      %dma_start3A_213 = tpu.memref_slice %arg7[%dma_start3A_211, %dma_start3A_212] : memref<1280x32xf32, #tpu.memory_space<vmem>> -> memref<128x32xf32, #tpu.memory_space<vmem>>
      %dma_start3A_214 = arith.constant 0 : i32
      %dma_start3A_215 = tpu.memref_slice %arg5[%add3A_210, %dma_start3A_214] : memref<200x128xi32, #tpu.memory_space<vmem>> -> memref<1x128xi32, #tpu.memory_space<vmem>>
      %dma_start3A_216 = tpu.memref_squeeze %dma_start3A_215 : memref<1x128xi32, #tpu.memory_space<vmem>> -> memref<128xi32, #tpu.memory_space<vmem>>
      %dma_start3A_217 = arith.constant 0 : i32
      %dma_start3A_218 = arith.constant 0 : i32
      %dma_start3A_219 = tpu.memref_slice %arg3[%dma_start3A_217, %dma_start3A_218] : memref<1000000x32xf32, #tpu.memory_space<hbm>> -> memref<1000000x32xf32, #tpu.memory_space<hbm>>
      tpu.enqueue_indirect_dma source(%dma_start3A_219 : memref<1000000x32xf32, #tpu.memory_space<hbm>>) target(%dma_start3A_213 : memref<128x32xf32, #tpu.memory_space<vmem>>) offsets(%dma_start3A_216 : memref<128xi32, #tpu.memory_space<vmem>>) semaphore(%arg9 : memref<!tpu.dma_semaphore, #tpu.memory_space<semaphore_mem>>)
      %mul3A_220 = arith.constant 10 : i32
      %mul3A_221 = arith.muli %add3A_115, %mul3A_220 : i32
      %add3A_222 = arith.constant 8 : i32
      %add3A_223 = arith.addi %mul3A_221, %add3A_222 : i32
      %dma_start3A_224 = arith.constant 1024 : i32
      %dma_start3A_225 = arith.constant 0 : i32
      %dma_start3A_226 = tpu.memref_slice %arg7[%dma_start3A_224, %dma_start3A_225] : memref<1280x32xf32, #tpu.memory_space<vmem>> -> memref<128x32xf32, #tpu.memory_space<vmem>>
      %dma_start3A_227 = arith.constant 0 : i32
      %dma_start3A_228 = tpu.memref_slice %arg5[%add3A_223, %dma_start3A_227] : memref<200x128xi32, #tpu.memory_space<vmem>> -> memref<1x128xi32, #tpu.memory_space<vmem>>
      %dma_start3A_229 = tpu.memref_squeeze %dma_start3A_228 : memref<1x128xi32, #tpu.memory_space<vmem>> -> memref<128xi32, #tpu.memory_space<vmem>>
      %dma_start3A_230 = arith.constant 0 : i32
      %dma_start3A_231 = arith.constant 0 : i32
      %dma_start3A_232 = tpu.memref_slice %arg3[%dma_start3A_230, %dma_start3A_231] : memref<1000000x32xf32, #tpu.memory_space<hbm>> -> memref<1000000x32xf32, #tpu.memory_space<hbm>>
      tpu.enqueue_indirect_dma source(%dma_start3A_232 : memref<1000000x32xf32, #tpu.memory_space<hbm>>) target(%dma_start3A_226 : memref<128x32xf32, #tpu.memory_space<vmem>>) offsets(%dma_start3A_229 : memref<128xi32, #tpu.memory_space<vmem>>) semaphore(%arg9 : memref<!tpu.dma_semaphore, #tpu.memory_space<semaphore_mem>>)
      %mul3A_233 = arith.constant 10 : i32
      %mul3A_234 = arith.muli %add3A_115, %mul3A_233 : i32
      %add3A_235 = arith.constant 9 : i32
      %add3A_236 = arith.addi %mul3A_234, %add3A_235 : i32
      %dma_start3A_237 = arith.constant 1152 : i32
      %dma_start3A_238 = arith.constant 0 : i32
      %dma_start3A_239 = tpu.memref_slice %arg7[%dma_start3A_237, %dma_start3A_238] : memref<1280x32xf32, #tpu.memory_space<vmem>> -> memref<128x32xf32, #tpu.memory_space<vmem>>
      %dma_start3A_240 = arith.constant 0 : i32
      %dma_start3A_241 = tpu.memref_slice %arg5[%add3A_236, %dma_start3A_240] : memref<200x128xi32, #tpu.memory_space<vmem>> -> memref<1x128xi32, #tpu.memory_space<vmem>>
      %dma_start3A_242 = tpu.memref_squeeze %dma_start3A_241 : memref<1x128xi32, #tpu.memory_space<vmem>> -> memref<128xi32, #tpu.memory_space<vmem>>
      %dma_start3A_243 = arith.constant 0 : i32
      %dma_start3A_244 = arith.constant 0 : i32
      %dma_start3A_245 = tpu.memref_slice %arg3[%dma_start3A_243, %dma_start3A_244] : memref<1000000x32xf32, #tpu.memory_space<hbm>> -> memref<1000000x32xf32, #tpu.memory_space<hbm>>
      tpu.enqueue_indirect_dma source(%dma_start3A_245 : memref<1000000x32xf32, #tpu.memory_space<hbm>>) target(%dma_start3A_239 : memref<128x32xf32, #tpu.memory_space<vmem>>) offsets(%dma_start3A_242 : memref<128xi32, #tpu.memory_space<vmem>>) semaphore(%arg9 : memref<!tpu.dma_semaphore, #tpu.memory_space<semaphore_mem>>)
      %dma_wait3A = arith.constant 0 : i32
      %dma_wait3A_246 = arith.constant 0 : i32
      %dma_wait3A_247 = tpu.memref_slice %arg4[%dma_wait3A, %dma_wait3A_246] : memref<819200x32xf32, #tpu.memory_space<hbm>> -> memref<1280x32xf32, #tpu.memory_space<hbm>>
      %dma_wait3A_248 = arith.constant 0 : i32
      %dma_wait3A_249 = arith.constant 0 : i32
      %dma_wait3A_250 = tpu.memref_slice %arg4[%dma_wait3A_248, %dma_wait3A_249] : memref<819200x32xf32, #tpu.memory_space<hbm>> -> memref<1280x32xf32, #tpu.memory_space<hbm>>
      tpu.wait_dma2 semaphore(%arg8 : memref<!tpu.dma_semaphore, #tpu.memory_space<semaphore_mem>>) src(%dma_wait3A_250 : memref<1280x32xf32, #tpu.memory_space<hbm>>) dst(%arg6 : memref<1280x32xf32, #tpu.memory_space<vmem>>)
      %mul3A_251 = arith.constant 1280 : i32
      %mul3A_252 = arith.muli %mul3A_113, %mul3A_251 : i32
      %add3A_253 = arith.addi %mul3A_2, %mul3A_252 : i32
      %dma_start3A_254 = arith.constant 0 : i32
      %dma_start3A_255 = tpu.memref_slice %arg4[%add3A_253, %dma_start3A_254] : memref<819200x32xf32, #tpu.memory_space<hbm>> -> memref<1280x32xf32, #tpu.memory_space<hbm>>
      %dma_start3A_256 = arith.constant 0 : i32
      %dma_start3A_257 = tpu.memref_slice %arg4[%add3A_253, %dma_start3A_256] : memref<819200x32xf32, #tpu.memory_space<hbm>> -> memref<1280x32xf32, #tpu.memory_space<hbm>>
      tpu.enqueue_dma source(%arg6 : memref<1280x32xf32, #tpu.memory_space<vmem>>) target(%dma_start3A_257 : memref<1280x32xf32, #tpu.memory_space<hbm>>) target_semaphore(%arg10 : memref<!tpu.dma_semaphore, #tpu.memory_space<semaphore_mem>>)
      %dma_wait3A_258 = arith.constant 0 : i32
      %dma_wait3A_259 = arith.constant 0 : i32
      %dma_wait3A_260 = tpu.memref_slice %arg4[%dma_wait3A_258, %dma_wait3A_259] : memref<819200x32xf32, #tpu.memory_space<hbm>> -> memref<1280x32xf32, #tpu.memory_space<hbm>>
      %dma_wait3A_261 = arith.constant 0 : i32
      %dma_wait3A_262 = arith.constant 0 : i32
      %dma_wait3A_263 = tpu.memref_slice %arg4[%dma_wait3A_261, %dma_wait3A_262] : memref<819200x32xf32, #tpu.memory_space<hbm>> -> memref<1280x32xf32, #tpu.memory_space<hbm>>
      tpu.wait_dma2 semaphore(%arg10 : memref<!tpu.dma_semaphore, #tpu.memory_space<semaphore_mem>>) src(%arg6 : memref<1280x32xf32, #tpu.memory_space<vmem>>) dst(%dma_wait3A_263 : memref<1280x32xf32, #tpu.memory_space<hbm>>)
      %lt3A = arith.constant 9 : i32
      %lt3A_264 = arith.cmpi slt, %scan3A_110, %lt3A : i32
      %convert_element_type3A = arith.extui %lt3A_264 : i1 to i32
      %cond3A = arith.constant 0 : i32
      %cond3A_265 = arith.cmpi ne, %convert_element_type3A, %cond3A : i32
      scf.if %cond3A_265 {
        %add3A_288 = arith.constant 2 : i32
        %add3A_289 = arith.addi %mul3A_113, %add3A_288 : i32
        %mul3A_290 = arith.constant 10 : i32
        %mul3A_291 = arith.muli %add3A_289, %mul3A_290 : i32
        %add3A_292 = arith.constant 0 : i32
        %add3A_293 = arith.addi %mul3A_291, %add3A_292 : i32
        %dma_start3A_294 = arith.constant 0 : i32
        %dma_start3A_295 = arith.constant 0 : i32
        %dma_start3A_296 = tpu.memref_slice %arg6[%dma_start3A_294, %dma_start3A_295] : memref<1280x32xf32, #tpu.memory_space<vmem>> -> memref<128x32xf32, #tpu.memory_space<vmem>>
        %dma_start3A_297 = arith.constant 0 : i32
        %dma_start3A_298 = tpu.memref_slice %arg5[%add3A_293, %dma_start3A_297] : memref<200x128xi32, #tpu.memory_space<vmem>> -> memref<1x128xi32, #tpu.memory_space<vmem>>
        %dma_start3A_299 = tpu.memref_squeeze %dma_start3A_298 : memref<1x128xi32, #tpu.memory_space<vmem>> -> memref<128xi32, #tpu.memory_space<vmem>>
        %dma_start3A_300 = arith.constant 0 : i32
        %dma_start3A_301 = arith.constant 0 : i32
        %dma_start3A_302 = tpu.memref_slice %arg3[%dma_start3A_300, %dma_start3A_301] : memref<1000000x32xf32, #tpu.memory_space<hbm>> -> memref<1000000x32xf32, #tpu.memory_space<hbm>>
        tpu.enqueue_indirect_dma source(%dma_start3A_302 : memref<1000000x32xf32, #tpu.memory_space<hbm>>) target(%dma_start3A_296 : memref<128x32xf32, #tpu.memory_space<vmem>>) offsets(%dma_start3A_299 : memref<128xi32, #tpu.memory_space<vmem>>) semaphore(%arg8 : memref<!tpu.dma_semaphore, #tpu.memory_space<semaphore_mem>>)
        %mul3A_303 = arith.constant 10 : i32
        %mul3A_304 = arith.muli %add3A_289, %mul3A_303 : i32
        %add3A_305 = arith.constant 1 : i32
        %add3A_306 = arith.addi %mul3A_304, %add3A_305 : i32
        %dma_start3A_307 = arith.constant 128 : i32
        %dma_start3A_308 = arith.constant 0 : i32
        %dma_start3A_309 = tpu.memref_slice %arg6[%dma_start3A_307, %dma_start3A_308] : memref<1280x32xf32, #tpu.memory_space<vmem>> -> memref<128x32xf32, #tpu.memory_space<vmem>>
        %dma_start3A_310 = arith.constant 0 : i32
        %dma_start3A_311 = tpu.memref_slice %arg5[%add3A_306, %dma_start3A_310] : memref<200x128xi32, #tpu.memory_space<vmem>> -> memref<1x128xi32, #tpu.memory_space<vmem>>
        %dma_start3A_312 = tpu.memref_squeeze %dma_start3A_311 : memref<1x128xi32, #tpu.memory_space<vmem>> -> memref<128xi32, #tpu.memory_space<vmem>>
        %dma_start3A_313 = arith.constant 0 : i32
        %dma_start3A_314 = arith.constant 0 : i32
        %dma_start3A_315 = tpu.memref_slice %arg3[%dma_start3A_313, %dma_start3A_314] : memref<1000000x32xf32, #tpu.memory_space<hbm>> -> memref<1000000x32xf32, #tpu.memory_space<hbm>>
        tpu.enqueue_indirect_dma source(%dma_start3A_315 : memref<1000000x32xf32, #tpu.memory_space<hbm>>) target(%dma_start3A_309 : memref<128x32xf32, #tpu.memory_space<vmem>>) offsets(%dma_start3A_312 : memref<128xi32, #tpu.memory_space<vmem>>) semaphore(%arg8 : memref<!tpu.dma_semaphore, #tpu.memory_space<semaphore_mem>>)
        %mul3A_316 = arith.constant 10 : i32
        %mul3A_317 = arith.muli %add3A_289, %mul3A_316 : i32
        %add3A_318 = arith.constant 2 : i32
        %add3A_319 = arith.addi %mul3A_317, %add3A_318 : i32
        %dma_start3A_320 = arith.constant 256 : i32
        %dma_start3A_321 = arith.constant 0 : i32
        %dma_start3A_322 = tpu.memref_slice %arg6[%dma_start3A_320, %dma_start3A_321] : memref<1280x32xf32, #tpu.memory_space<vmem>> -> memref<128x32xf32, #tpu.memory_space<vmem>>
        %dma_start3A_323 = arith.constant 0 : i32
        %dma_start3A_324 = tpu.memref_slice %arg5[%add3A_319, %dma_start3A_323] : memref<200x128xi32, #tpu.memory_space<vmem>> -> memref<1x128xi32, #tpu.memory_space<vmem>>
        %dma_start3A_325 = tpu.memref_squeeze %dma_start3A_324 : memref<1x128xi32, #tpu.memory_space<vmem>> -> memref<128xi32, #tpu.memory_space<vmem>>
        %dma_start3A_326 = arith.constant 0 : i32
        %dma_start3A_327 = arith.constant 0 : i32
        %dma_start3A_328 = tpu.memref_slice %arg3[%dma_start3A_326, %dma_start3A_327] : memref<1000000x32xf32, #tpu.memory_space<hbm>> -> memref<1000000x32xf32, #tpu.memory_space<hbm>>
        tpu.enqueue_indirect_dma source(%dma_start3A_328 : memref<1000000x32xf32, #tpu.memory_space<hbm>>) target(%dma_start3A_322 : memref<128x32xf32, #tpu.memory_space<vmem>>) offsets(%dma_start3A_325 : memref<128xi32, #tpu.memory_space<vmem>>) semaphore(%arg8 : memref<!tpu.dma_semaphore, #tpu.memory_space<semaphore_mem>>)
        %mul3A_329 = arith.constant 10 : i32
        %mul3A_330 = arith.muli %add3A_289, %mul3A_329 : i32
        %add3A_331 = arith.constant 3 : i32
        %add3A_332 = arith.addi %mul3A_330, %add3A_331 : i32
        %dma_start3A_333 = arith.constant 384 : i32
        %dma_start3A_334 = arith.constant 0 : i32
        %dma_start3A_335 = tpu.memref_slice %arg6[%dma_start3A_333, %dma_start3A_334] : memref<1280x32xf32, #tpu.memory_space<vmem>> -> memref<128x32xf32, #tpu.memory_space<vmem>>
        %dma_start3A_336 = arith.constant 0 : i32
        %dma_start3A_337 = tpu.memref_slice %arg5[%add3A_332, %dma_start3A_336] : memref<200x128xi32, #tpu.memory_space<vmem>> -> memref<1x128xi32, #tpu.memory_space<vmem>>
        %dma_start3A_338 = tpu.memref_squeeze %dma_start3A_337 : memref<1x128xi32, #tpu.memory_space<vmem>> -> memref<128xi32, #tpu.memory_space<vmem>>
        %dma_start3A_339 = arith.constant 0 : i32
        %dma_start3A_340 = arith.constant 0 : i32
        %dma_start3A_341 = tpu.memref_slice %arg3[%dma_start3A_339, %dma_start3A_340] : memref<1000000x32xf32, #tpu.memory_space<hbm>> -> memref<1000000x32xf32, #tpu.memory_space<hbm>>
        tpu.enqueue_indirect_dma source(%dma_start3A_341 : memref<1000000x32xf32, #tpu.memory_space<hbm>>) target(%dma_start3A_335 : memref<128x32xf32, #tpu.memory_space<vmem>>) offsets(%dma_start3A_338 : memref<128xi32, #tpu.memory_space<vmem>>) semaphore(%arg8 : memref<!tpu.dma_semaphore, #tpu.memory_space<semaphore_mem>>)
        %mul3A_342 = arith.constant 10 : i32
        %mul3A_343 = arith.muli %add3A_289, %mul3A_342 : i32
        %add3A_344 = arith.constant 4 : i32
        %add3A_345 = arith.addi %mul3A_343, %add3A_344 : i32
        %dma_start3A_346 = arith.constant 512 : i32
        %dma_start3A_347 = arith.constant 0 : i32
        %dma_start3A_348 = tpu.memref_slice %arg6[%dma_start3A_346, %dma_start3A_347] : memref<1280x32xf32, #tpu.memory_space<vmem>> -> memref<128x32xf32, #tpu.memory_space<vmem>>
        %dma_start3A_349 = arith.constant 0 : i32
        %dma_start3A_350 = tpu.memref_slice %arg5[%add3A_345, %dma_start3A_349] : memref<200x128xi32, #tpu.memory_space<vmem>> -> memref<1x128xi32, #tpu.memory_space<vmem>>
        %dma_start3A_351 = tpu.memref_squeeze %dma_start3A_350 : memref<1x128xi32, #tpu.memory_space<vmem>> -> memref<128xi32, #tpu.memory_space<vmem>>
        %dma_start3A_352 = arith.constant 0 : i32
        %dma_start3A_353 = arith.constant 0 : i32
        %dma_start3A_354 = tpu.memref_slice %arg3[%dma_start3A_352, %dma_start3A_353] : memref<1000000x32xf32, #tpu.memory_space<hbm>> -> memref<1000000x32xf32, #tpu.memory_space<hbm>>
        tpu.enqueue_indirect_dma source(%dma_start3A_354 : memref<1000000x32xf32, #tpu.memory_space<hbm>>) target(%dma_start3A_348 : memref<128x32xf32, #tpu.memory_space<vmem>>) offsets(%dma_start3A_351 : memref<128xi32, #tpu.memory_space<vmem>>) semaphore(%arg8 : memref<!tpu.dma_semaphore, #tpu.memory_space<semaphore_mem>>)
        %mul3A_355 = arith.constant 10 : i32
        %mul3A_356 = arith.muli %add3A_289, %mul3A_355 : i32
        %add3A_357 = arith.constant 5 : i32
        %add3A_358 = arith.addi %mul3A_356, %add3A_357 : i32
        %dma_start3A_359 = arith.constant 640 : i32
        %dma_start3A_360 = arith.constant 0 : i32
        %dma_start3A_361 = tpu.memref_slice %arg6[%dma_start3A_359, %dma_start3A_360] : memref<1280x32xf32, #tpu.memory_space<vmem>> -> memref<128x32xf32, #tpu.memory_space<vmem>>
        %dma_start3A_362 = arith.constant 0 : i32
        %dma_start3A_363 = tpu.memref_slice %arg5[%add3A_358, %dma_start3A_362] : memref<200x128xi32, #tpu.memory_space<vmem>> -> memref<1x128xi32, #tpu.memory_space<vmem>>
        %dma_start3A_364 = tpu.memref_squeeze %dma_start3A_363 : memref<1x128xi32, #tpu.memory_space<vmem>> -> memref<128xi32, #tpu.memory_space<vmem>>
        %dma_start3A_365 = arith.constant 0 : i32
        %dma_start3A_366 = arith.constant 0 : i32
        %dma_start3A_367 = tpu.memref_slice %arg3[%dma_start3A_365, %dma_start3A_366] : memref<1000000x32xf32, #tpu.memory_space<hbm>> -> memref<1000000x32xf32, #tpu.memory_space<hbm>>
        tpu.enqueue_indirect_dma source(%dma_start3A_367 : memref<1000000x32xf32, #tpu.memory_space<hbm>>) target(%dma_start3A_361 : memref<128x32xf32, #tpu.memory_space<vmem>>) offsets(%dma_start3A_364 : memref<128xi32, #tpu.memory_space<vmem>>) semaphore(%arg8 : memref<!tpu.dma_semaphore, #tpu.memory_space<semaphore_mem>>)
        %mul3A_368 = arith.constant 10 : i32
        %mul3A_369 = arith.muli %add3A_289, %mul3A_368 : i32
        %add3A_370 = arith.constant 6 : i32
        %add3A_371 = arith.addi %mul3A_369, %add3A_370 : i32
        %dma_start3A_372 = arith.constant 768 : i32
        %dma_start3A_373 = arith.constant 0 : i32
        %dma_start3A_374 = tpu.memref_slice %arg6[%dma_start3A_372, %dma_start3A_373] : memref<1280x32xf32, #tpu.memory_space<vmem>> -> memref<128x32xf32, #tpu.memory_space<vmem>>
        %dma_start3A_375 = arith.constant 0 : i32
        %dma_start3A_376 = tpu.memref_slice %arg5[%add3A_371, %dma_start3A_375] : memref<200x128xi32, #tpu.memory_space<vmem>> -> memref<1x128xi32, #tpu.memory_space<vmem>>
        %dma_start3A_377 = tpu.memref_squeeze %dma_start3A_376 : memref<1x128xi32, #tpu.memory_space<vmem>> -> memref<128xi32, #tpu.memory_space<vmem>>
        %dma_start3A_378 = arith.constant 0 : i32
        %dma_start3A_379 = arith.constant 0 : i32
        %dma_start3A_380 = tpu.memref_slice %arg3[%dma_start3A_378, %dma_start3A_379] : memref<1000000x32xf32, #tpu.memory_space<hbm>> -> memref<1000000x32xf32, #tpu.memory_space<hbm>>
        tpu.enqueue_indirect_dma source(%dma_start3A_380 : memref<1000000x32xf32, #tpu.memory_space<hbm>>) target(%dma_start3A_374 : memref<128x32xf32, #tpu.memory_space<vmem>>) offsets(%dma_start3A_377 : memref<128xi32, #tpu.memory_space<vmem>>) semaphore(%arg8 : memref<!tpu.dma_semaphore, #tpu.memory_space<semaphore_mem>>)
        %mul3A_381 = arith.constant 10 : i32
        %mul3A_382 = arith.muli %add3A_289, %mul3A_381 : i32
        %add3A_383 = arith.constant 7 : i32
        %add3A_384 = arith.addi %mul3A_382, %add3A_383 : i32
        %dma_start3A_385 = arith.constant 896 : i32
        %dma_start3A_386 = arith.constant 0 : i32
        %dma_start3A_387 = tpu.memref_slice %arg6[%dma_start3A_385, %dma_start3A_386] : memref<1280x32xf32, #tpu.memory_space<vmem>> -> memref<128x32xf32, #tpu.memory_space<vmem>>
        %dma_start3A_388 = arith.constant 0 : i32
        %dma_start3A_389 = tpu.memref_slice %arg5[%add3A_384, %dma_start3A_388] : memref<200x128xi32, #tpu.memory_space<vmem>> -> memref<1x128xi32, #tpu.memory_space<vmem>>
        %dma_start3A_390 = tpu.memref_squeeze %dma_start3A_389 : memref<1x128xi32, #tpu.memory_space<vmem>> -> memref<128xi32, #tpu.memory_space<vmem>>
        %dma_start3A_391 = arith.constant 0 : i32
        %dma_start3A_392 = arith.constant 0 : i32
        %dma_start3A_393 = tpu.memref_slice %arg3[%dma_start3A_391, %dma_start3A_392] : memref<1000000x32xf32, #tpu.memory_space<hbm>> -> memref<1000000x32xf32, #tpu.memory_space<hbm>>
        tpu.enqueue_indirect_dma source(%dma_start3A_393 : memref<1000000x32xf32, #tpu.memory_space<hbm>>) target(%dma_start3A_387 : memref<128x32xf32, #tpu.memory_space<vmem>>) offsets(%dma_start3A_390 : memref<128xi32, #tpu.memory_space<vmem>>) semaphore(%arg8 : memref<!tpu.dma_semaphore, #tpu.memory_space<semaphore_mem>>)
        %mul3A_394 = arith.constant 10 : i32
        %mul3A_395 = arith.muli %add3A_289, %mul3A_394 : i32
        %add3A_396 = arith.constant 8 : i32
        %add3A_397 = arith.addi %mul3A_395, %add3A_396 : i32
        %dma_start3A_398 = arith.constant 1024 : i32
        %dma_start3A_399 = arith.constant 0 : i32
        %dma_start3A_400 = tpu.memref_slice %arg6[%dma_start3A_398, %dma_start3A_399] : memref<1280x32xf32, #tpu.memory_space<vmem>> -> memref<128x32xf32, #tpu.memory_space<vmem>>
        %dma_start3A_401 = arith.constant 0 : i32
        %dma_start3A_402 = tpu.memref_slice %arg5[%add3A_397, %dma_start3A_401] : memref<200x128xi32, #tpu.memory_space<vmem>> -> memref<1x128xi32, #tpu.memory_space<vmem>>
        %dma_start3A_403 = tpu.memref_squeeze %dma_start3A_402 : memref<1x128xi32, #tpu.memory_space<vmem>> -> memref<128xi32, #tpu.memory_space<vmem>>
        %dma_start3A_404 = arith.constant 0 : i32
        %dma_start3A_405 = arith.constant 0 : i32
        %dma_start3A_406 = tpu.memref_slice %arg3[%dma_start3A_404, %dma_start3A_405] : memref<1000000x32xf32, #tpu.memory_space<hbm>> -> memref<1000000x32xf32, #tpu.memory_space<hbm>>
        tpu.enqueue_indirect_dma source(%dma_start3A_406 : memref<1000000x32xf32, #tpu.memory_space<hbm>>) target(%dma_start3A_400 : memref<128x32xf32, #tpu.memory_space<vmem>>) offsets(%dma_start3A_403 : memref<128xi32, #tpu.memory_space<vmem>>) semaphore(%arg8 : memref<!tpu.dma_semaphore, #tpu.memory_space<semaphore_mem>>)
        %mul3A_407 = arith.constant 10 : i32
        %mul3A_408 = arith.muli %add3A_289, %mul3A_407 : i32
        %add3A_409 = arith.constant 9 : i32
        %add3A_410 = arith.addi %mul3A_408, %add3A_409 : i32
        %dma_start3A_411 = arith.constant 1152 : i32
        %dma_start3A_412 = arith.constant 0 : i32
        %dma_start3A_413 = tpu.memref_slice %arg6[%dma_start3A_411, %dma_start3A_412] : memref<1280x32xf32, #tpu.memory_space<vmem>> -> memref<128x32xf32, #tpu.memory_space<vmem>>
        %dma_start3A_414 = arith.constant 0 : i32
        %dma_start3A_415 = tpu.memref_slice %arg5[%add3A_410, %dma_start3A_414] : memref<200x128xi32, #tpu.memory_space<vmem>> -> memref<1x128xi32, #tpu.memory_space<vmem>>
        %dma_start3A_416 = tpu.memref_squeeze %dma_start3A_415 : memref<1x128xi32, #tpu.memory_space<vmem>> -> memref<128xi32, #tpu.memory_space<vmem>>
        %dma_start3A_417 = arith.constant 0 : i32
        %dma_start3A_418 = arith.constant 0 : i32
        %dma_start3A_419 = tpu.memref_slice %arg3[%dma_start3A_417, %dma_start3A_418] : memref<1000000x32xf32, #tpu.memory_space<hbm>> -> memref<1000000x32xf32, #tpu.memory_space<hbm>>
        tpu.enqueue_indirect_dma source(%dma_start3A_419 : memref<1000000x32xf32, #tpu.memory_space<hbm>>) target(%dma_start3A_413 : memref<128x32xf32, #tpu.memory_space<vmem>>) offsets(%dma_start3A_416 : memref<128xi32, #tpu.memory_space<vmem>>) semaphore(%arg8 : memref<!tpu.dma_semaphore, #tpu.memory_space<semaphore_mem>>)
      } else {
      }
      %dma_wait3A_266 = arith.constant 0 : i32
      %dma_wait3A_267 = arith.constant 0 : i32
      %dma_wait3A_268 = tpu.memref_slice %arg4[%dma_wait3A_266, %dma_wait3A_267] : memref<819200x32xf32, #tpu.memory_space<hbm>> -> memref<1280x32xf32, #tpu.memory_space<hbm>>
      %dma_wait3A_269 = arith.constant 0 : i32
      %dma_wait3A_270 = arith.constant 0 : i32
      %dma_wait3A_271 = tpu.memref_slice %arg4[%dma_wait3A_269, %dma_wait3A_270] : memref<819200x32xf32, #tpu.memory_space<hbm>> -> memref<1280x32xf32, #tpu.memory_space<hbm>>
      tpu.wait_dma2 semaphore(%arg9 : memref<!tpu.dma_semaphore, #tpu.memory_space<semaphore_mem>>) src(%dma_wait3A_271 : memref<1280x32xf32, #tpu.memory_space<hbm>>) dst(%arg7 : memref<1280x32xf32, #tpu.memory_space<vmem>>)
      %add3A_272 = arith.constant 1 : i32
      %add3A_273 = arith.addi %mul3A_113, %add3A_272 : i32
      %mul3A_274 = arith.constant 1280 : i32
      %mul3A_275 = arith.muli %add3A_273, %mul3A_274 : i32
      %add3A_276 = arith.addi %mul3A_2, %mul3A_275 : i32
      %dma_start3A_277 = arith.constant 0 : i32
      %dma_start3A_278 = tpu.memref_slice %arg4[%add3A_276, %dma_start3A_277] : memref<819200x32xf32, #tpu.memory_space<hbm>> -> memref<1280x32xf32, #tpu.memory_space<hbm>>
      %dma_start3A_279 = arith.constant 0 : i32
      %dma_start3A_280 = tpu.memref_slice %arg4[%add3A_276, %dma_start3A_279] : memref<819200x32xf32, #tpu.memory_space<hbm>> -> memref<1280x32xf32, #tpu.memory_space<hbm>>
      tpu.enqueue_dma source(%arg7 : memref<1280x32xf32, #tpu.memory_space<vmem>>) target(%dma_start3A_280 : memref<1280x32xf32, #tpu.memory_space<hbm>>) target_semaphore(%arg10 : memref<!tpu.dma_semaphore, #tpu.memory_space<semaphore_mem>>)
      %dma_wait3A_281 = arith.constant 0 : i32
      %dma_wait3A_282 = arith.constant 0 : i32
      %dma_wait3A_283 = tpu.memref_slice %arg4[%dma_wait3A_281, %dma_wait3A_282] : memref<819200x32xf32, #tpu.memory_space<hbm>> -> memref<1280x32xf32, #tpu.memory_space<hbm>>
      %dma_wait3A_284 = arith.constant 0 : i32
      %dma_wait3A_285 = arith.constant 0 : i32
      %dma_wait3A_286 = tpu.memref_slice %arg4[%dma_wait3A_284, %dma_wait3A_285] : memref<819200x32xf32, #tpu.memory_space<hbm>> -> memref<1280x32xf32, #tpu.memory_space<hbm>>
      tpu.wait_dma2 semaphore(%arg10 : memref<!tpu.dma_semaphore, #tpu.memory_space<semaphore_mem>>) src(%arg7 : memref<1280x32xf32, #tpu.memory_space<vmem>>) dst(%dma_wait3A_286 : memref<1280x32xf32, #tpu.memory_space<hbm>>)
      %scan3A_287 = arith.constant 0 : i32
      scf.yield %scan3A_287 : i32
    }
    %scan3A_109 = arith.constant 10 : i32
    return
  }
}

</mosaic_0001>

<sc_bundles>
// kernel: kernel.3.cloned.1.call-start
scs
__scs_entry_jumppad:
0x0: {  	(pc) =	sbr.rel $0x88, $3  }
0x1: {  	(tag) =	ssettag $0x0;
	lr =	simm.s32 $0x1  }
0x2: {  	[smem:$0x3F9F] =	sst lr;
	_ =	strace $0xD0000000  }
0x3: {  	_ = 	snop  }
0x4: {  	_ = 	snop  }
0x5: {  	_ = 	snop  }
0x6: {  	_ = 	snop  }
0x7: {  	_ = 	snop  }
__scs_overlays_trampoline_lowered:
0x8: {  	[smem:$0x3FAE] =	sst s0  }
0x9: {  	[smem:$0x3FAF] =	sst s1  }
0xa: {  	[smem:$0x3FB0] =	sst s2  }
0xb: {  	[smem:$0x3FB1] =	sst s3  }
0xc: {  	[smem:$0x3FB2] =	sst s4  }
0xd: {  	[smem:$0x3FB3] =	sst s5  }
0xe: {  	[smem:$0x3FB4] =	sst s6  }
0xf: {  	[smem:$0x3FB5] =	sst s7  }
0x10: {  	[smem:$0x3FB6] =	sst s8  }
0x11: {  	[smem:$0x3FB7] =	sst s9;
	s0 =	simm.s32 @!p0 $0x0  }
0x12: {  	s1 =	sld [smem:$0x3F9D];
	s0 =	simm.s32 @p0 $0x1  }
0x13: {  	[smem:$0x3FB8] =	sst s0;
	s0 =	simm.s32 @!p1 $0x0  }
0x14: {  	s2 =	sld [smem:$0x3F9C];
	s0 =	simm.s32 @p1 $0x1  }
0x15: {  	[smem:$0x3FB9] =	sst s0;
	s0 =	simm.s32 @!p2 $0x0  }
0x16: {  	s3 =	sld [smem:$0x3FDB];
	s0 =	simm.s32 @p2 $0x1  }
0x17: {  	s4 =	simm.s32 $0x1BF5;
	[smem:$0x3FBB] =	sst s0  }
0x18: {  	s0 =	sld [smem:$0x3F9E];
	_ =	swait.ge [sflag:s4], $0x0  }
0x19: {  	s7 =	sld [smem:$0x3F9F]  }
0x1a: {  	s8 =	sadd.s32 $0xFFFFE003, lr  }
0x1b: {  	s9 =	sadd.s32 $0xFFFFFEF7, lr;
	s5 =	simm.s32 $0xFFFFFFFF;
	p2 =	slt.u32 s8, $0xFFFFF086  }
0x1c: {  	p1 =	slt.u32 s9, $0xF7A;
	s5 =	simm.s32 @!p2 $0x0  }
0x1d: {  	s5 =	simm.s32 @p1 $0x1;
	p0 =	seq.s32 s7, s2  }
0x1e: {  	s7 =	smul.u32 @!p0 $0xF7A, s2;
	p2 =	seq.s32 @!p0 s5, $0x0  }
0x1f: {  	s9 =	smul.u32 $0xF7A, s1;
	s8 =	simm.s32 @!p0 $0x1BF5;
	p2 =	por !p2, p0  }
0x20: {  	[sflag:s8] =	ssyncset.s32 @!p0 $0xFFFFF086;
	s6 =	sadd.s32 @!p0 s3, s7;
	s7 =	simm.s32 @!p0 $0x108  }
0x21: {  	s3 =	sadd.s32 s3, s9;
	s6 =	sadd.s32 @!p0 $0x88, s6;
	s7 =	simm.s32 @p2 $0x1082  }
0x22: {  	[simem:s7], [sflag:s8] =	dma.local @!p0 [hbm:s6], $0xF7A  }
0x23: {  	s9 =	sor.u32 $0xD0000000, s2;
	s6 =	simm.s32 $0x108;
	_ =	swait.ge @!p0 [sflag:s8], $0x0  }
0x24: {  	s3 =	sadd.s32 $0x88, s3;
	s6 =	simm.s32 @!p1 $0x1082;
	[sflag:s4] =	ssyncset.s32 $0xFFFFF086  }
0x25: {  	[simem:s6], [sflag:s4] =	dma.local [hbm:s3], $0xF7A  }
0x26: {  	[smem:$0x3F9F] =	sst s1;
	(tag) =	ssettag s2;
	_ =	strace s9  }
0x27: {  	s1 =	sld [smem:$0x3FAF]  }
0x28: {  	s2 =	sld [smem:$0x3FB0]  }
0x29: {  	s4 =	sld [smem:$0x3FB2]  }
0x2a: {  	p0 =	seq.s32 s5, $0x0;
	s5 =	sld [smem:$0x3FB3]  }
0x2b: {  	s6 =	sld [smem:$0x3FB4]  }
0x2c: {  	s7 =	sld [smem:$0x3FB5]  }
0x2d: {  	s3 =	simm.s32 $0x108;
	s8 =	sld [smem:$0x3FB6]  }
0x2e: {  	s3 =	simm.s32 @!p0 $0x1082;
	s9 =	sld [smem:$0x3FB7]  }
0x2f: {  	lr =	sadd.s32 s0, s3;
	s0 =	sld [smem:$0x3FAE]  }
0x30: {  	s3 =	sld [smem:$0x3FB1]  }
0x31: {  	[smem:$0x3FBA] =	sst s10  }
0x32: {  	s10 =	sld [smem:$0x3FB8];
	_ =	sdelay $0x3  }
0x33: {  	p0 =	seq.s32 s10, $0x1;
	s10 =	sld [smem:$0x3FBA];
	_ =	sdelay $0x3  }
0x34: {  	[smem:$0x3FBA] =	sst s10  }
0x35: {  	s10 =	sld [smem:$0x3FB9];
	_ =	sdelay $0x3  }
0x36: {  	p1 =	seq.s32 s10, $0x1;
	s10 =	sld [smem:$0x3FBA];
	_ =	sdelay $0x3  }
0x37: {  	[smem:$0x3FBA] =	sst s10  }
0x38: {  	s10 =	sld [smem:$0x3FBB]  }
0x39: {  	_ = 	snop;
	(pc) =	sbr.ind lr, $3  }
0x3a: {  	_ = 	snop  }
0x3b: {  	_ = 	snop  }
0x3c: {  	p2 =	seq.s32 s10, $0x1;
	s10 =	sld [smem:$0x3FBA]  }
0x3d: {  	_ =	shalt  }
0x3e: {  	_ =	shalt  }
0x3f: {  	_ =	shalt  }
0x40: {  	_ =	shalt  }
0x41: {  	_ =	shalt  }
0x42: {  	_ =	shalt  }
0x43: {  	_ =	shalt  }
0x44: {  	_ =	shalt  }
0x45: {  	_ =	shalt  }
0x46: {  	_ =	shalt  }
0x47: {  	_ =	shalt  }
0x48: {  	_ =	shalt  }
0x49: {  	_ =	shalt  }
0x4a: {  	_ =	shalt  }
0x4b: {  	_ =	shalt  }
0x4c: {  	_ =	shalt  }
0x4d: {  	_ =	shalt  }
0x4e: {  	_ =	shalt  }
0x4f: {  	_ =	shalt  }
0x50: {  	_ =	shalt  }
0x51: {  	_ =	shalt  }
0x52: {  	_ =	shalt  }
0x53: {  	_ =	shalt  }
0x54: {  	_ =	shalt  }
0x55: {  	_ =	shalt  }
0x56: {  	_ =	shalt  }
0x57: {  	_ =	shalt  }
0x58: {  	_ =	shalt  }
0x59: {  	_ =	shalt  }
0x5a: {  	_ =	shalt  }
0x5b: {  	_ =	shalt  }
0x5c: {  	_ =	shalt  }
0x5d: {  	_ =	shalt  }
0x5e: {  	_ =	shalt  }
0x5f: {  	_ =	shalt  }
0x60: {  	_ =	shalt  }
0x61: {  	_ =	shalt  }
0x62: {  	_ =	shalt  }
0x63: {  	_ =	shalt  }
0x64: {  	_ =	shalt  }
0x65: {  	_ =	shalt  }
0x66: {  	_ =	shalt  }
0x67: {  	_ =	shalt  }
0x68: {  	_ =	shalt  }
0x69: {  	_ =	shalt  }
0x6a: {  	_ =	shalt  }
0x6b: {  	_ =	shalt  }
0x6c: {  	_ =	shalt  }
0x6d: {  	_ =	shalt  }
0x6e: {  	_ =	shalt  }
0x6f: {  	_ =	shalt  }
0x70: {  	_ =	shalt  }
0x71: {  	_ =	shalt  }
0x72: {  	_ =	shalt  }
0x73: {  	_ =	shalt  }
0x74: {  	_ =	shalt  }
0x75: {  	_ =	shalt  }
0x76: {  	_ =	shalt  }
0x77: {  	_ =	shalt  }
0x78: {  	_ =	shalt  }
0x79: {  	_ =	shalt  }
0x7a: {  	_ =	shalt  }
0x7b: {  	_ =	shalt  }
0x7c: {  	_ =	shalt  }
0x7d: {  	_ =	shalt  }
0x7e: {  	_ =	shalt  }
0x7f: {  	_ =	shalt  }
0x80: {  	_ =	shalt  }
0x81: {  	_ =	shalt  }
0x82: {  	_ =	shalt  }
0x83: {  	_ =	shalt  }
0x84: {  	_ =	shalt  }
0x85: {  	_ =	shalt  }
0x86: {  	_ =	shalt  }
0x87: {  	_ =	shalt  }
.Lfunc_end0:
.L_simem_size_0:
called_computation.1_lowered:
.L_overlay_start_0:
0x88: {  	s2 =	sld [smem:$0x3FD9]  }
0x89: {  	s3 =	sld [smem:$0x3FFE];
	_ =	sdelay $0x1  }
0x8a: {  	s1 =	srdreg.scid  }
0x8b: {  	s0 =	sand.u32 $0x1, s1  }
0x8c: {  	s17 =	sshll.u32 s0, $0xA;
	s2 =	sadd.s32 s3, s2  }
0x8d: {  	s2 =	sadd.s32 s2, s17  }
0x8e: {  	[smem:$0x3FC6] =	sst s2  }
0x8f: {  	_ = 	snop  }
0x90: {  	s2 =	sld [smem:$0x3FD0];
	(tm) =	ssettm $0x1  }
0x91: {  	s18 =	sld [smem:$0x3FFB];
	_ =	sdelay $0x3  }
0x92: {  	_ =	strace s18  }
0x93: {  	s3 =	sld [smem:$0x3FFC];
	_ =	sdelay $0x3  }
0x94: {  	_ =	strace s3  }
0x95: {  	s3 =	sld [smem:$0x3FFD];
	_ =	sdelay $0x3  }
0x96: {  	_ =	strace s3  }
0x97: {  	_ =	strace $0x8FFFFFFF  }
0x98: {  	s19 =	sld [smem:$0x3FDB];
	_ =	sdelay $0x1  }
0x99: {  	s4 =	simm.s32 $_scs_section_size  }
0x9a: {  	s5 =	simm.s32 $_size__tile_overlayer_lowered;
	s6 =	simm.s32 $_tile_overlayer_lowered  }
0x9b: {  	s22 =	simm.s32 $0x1BFF;
	s21 =	sshll.u32 s6, $0x1;
	s3 =	sadd.s32 s4, s19  }
0x9c: {  	s7 =	simm.s32 $0x0;
	s20 =	sshll.u32 s5, $0x1;
	s5 =	sadd.s32 s21, s3  }
0x9d: {  	[timem:s7], [sflag:s22] =	dma.local [hbm:s5], s20  }
0x9e: {  	_ =	swait.ge [sflag:s22], s20  }
0x9f: {  	s4 =	ssub.s32 $0x0, s20;
	[sflag:s22] =	ssyncset.done $0x0  }
0xa0: {  	[sflag:s22] =	ssyncadd.s32 s4;
	_ =	sdelay $0x1  }
0xa1: {  	s23 =	simm.s32 $0x1B8B  }
0xa2: {  	_ =	swait.ge [sflag:s23], $0x1  }
0xa3: {  	[sflag:s23] =	ssyncset.done $0x0  }
0xa4: {  	s25 =	simm.s32 $0x1B8E;
	s24 =	sld [smem:$0x3FFE];
	[sflag:s23] =	ssyncadd.s32 $0xFFFFFFFF  }
0xa5: {  	s26 =	simm.s32 $execute0_lowered;
	[smem:$0x3FD2] =	sst s25  }
0xa6: {  	s5 =	sshll.u32 s26, $0x1;
	_ =	strace $0x80000046;
	[dreg:$0x1] =	wrdreg $0xFFFFFFFF  }
0xa7: {  	s28 =	simm.s32 $_size_execute0_lowered;
	s3 =	sadd.s32 s3, s5;
	[dreg:$0x0] =	wrdreg $0x0  }
0xa8: {  	s5 =	sshll.u32 s28, $0x1;
	[dreg:$0x2] =	wrdreg s3  }
0xa9: {  	[dreg:$0x3] =	wrdreg s5  }
0xaa: {  	[dreg:$0x4] =	wrdreg $0xC0  }
0xab: {  	_ =	task [dreg:s7], $0x5FFFF  }
0xac: {  	[dreg:$0x1] =	wrdreg $0xFFFFFFFF  }
0xad: {  	[dreg:$0x0] =	wrdreg $0x60  }
0xae: {  	[dreg:$0x2] =	wrdreg s24  }
0xaf: {  	[dreg:$0x3] =	wrdreg s2  }
0xb0: {  	[dreg:$0x4] =	wrdreg $0x9  }
0xb1: {  	_ =	task.clear_ibuf [dreg:s7], $0x5FFFF;
	_ =	strace $0x90000046  }
0xb2: {  	s29 =	simm.s32 $0x9;
	_ =	strace $0x80000048  }
0xb3: {  	_ =	swait.ge [sflag:s29], $0x1  }
0xb4: {  	[sflag:s29] =	ssyncadd.s32 $0xFFFFFFFF  }
0xb5: {  	_ =	strace $0x90000048  }
0xb6: {  	_ =	sfence  }
0xb7: {  	s30 =	sld [smem:$0x0];
	_ =	sdelay $0x2  }
0xb8: {  	s31 =	sshll.u32 s1, $0xD;
	s1 =	sshrl.u32 s1, $0x2  }
0xb9: {  	s3 =	sand.u32 $0x4000, s31;
	s1 =	sadd.s32 s1, s30  }
0xba: {  	s0 =	sor.u32 s3, s0;
	s1 =	sshll.u32 s1, $0x11  }
0xbb: {  	s0 =	sor.u32 s1, s0  }
0xbc: {  	s0 =	sadd.s32 $0x8F2B, s0  }
0xbd: {  	[sflag:s0] =	ssyncadd.remote.s32 $0x1  }
0xbe: {  	_ =	sfence.sel $0xFFFF  }
0xbf: {  	[dreg:$0x0] =	wrdreg $0xFFFFFFFF;
	(pc) =	sbr.abs _section_cstart, $3  }
0xc0: {  	[dreg:$0x1] =	wrdreg $0xFFFFFFFF  }
0xc1: {  	_ =	task.clear_ibuf [dreg:s7], $0x2FFFF;
	_ =	strace $0x9FFFFFFF  }
0xc2: {  	(tm) =	ssettm $0x7FFFFFFF  }
0xc3: {  	_ =	shalt  }
tec
execute0_lowered:
.L_overlay_start_1:
0x0: {  	(tag) =	ssettag $0x1  }
0x1: {  	s0 =	rddreg [dreg:$0x0];
	s1 =	srdreg.scid  }
0x2: {  	s10 =	stileid.u32;
	s4 =	rddreg [dreg:$0x1]  }
0x3: {  	s2 =	simm.s32 $0x0;
	s29 =	simm.s32 $0x10400;
	s31 =	simm.s32 $0x11400  }
0x4: {  	s12 =	simm.s32 $0x14400;
	s14 =	simm.s32 $0x15400;
	s16 =	simm.s32 $0x16400  }
0x5: {  	s18 =	simm.s32 $0x17400;
	s20 =	simm.s32 $0x18400;
	s13 =	simm.s32 $0x19400  }
0x6: {  	s17 =	simm.s32 $0x9400;
	s19 =	simm.s32 $0xA400;
	s8 =	smul.u32 $0xC800, s10  }
0x7: {  	s21 =	simm.s32 $0xB400;
	s1 =	sand.u32 $0x1, s1;
	s23 =	smul.u32 $0x32000, s10  }
0x8: {  	s3 =	sshll.u32 s10, $0x1;
	[smem:$0x7FF] =	sst s2;
	s9 =	smul.u32 $0x6400, s1  }
0x9: {  	s10 =	simm.s32 $0x6400;
	s3 =	sor.u32 s1, s3;
	s24 =	smul.u32 $0x19000, s1  }
0xa: {  	_ =	strace $0x80000047;
	s7 =	ssub.s32 $0x2, s1;
	s5 =	smul.u32 $0xC80, s3  }
0xb: {  	s6 =	smul.u32 $0x19000, s3;
	s3 =	sadd.s32 $0xF42E00, s0;
	s22 =	sshrl.u32 s7, $0x1  }
0xc: {  	s25 =	sadd.s32 s9, s8;
	s9 =	simm.s32 $0x80;
	s5 =	sadd.s32 s5, s0  }
0xd: {  	s0 =	ssub.s32 s7, s22;
	s6 =	sadd.s32 s4, s6;
	s5 =	sadd.s32 $0xA00, s5  }
0xe: {  	s1 =	sshll.u32 s25, $0x2;
	s0 =	smax.u32 s0, $0x1;
	[dreg:$0x5] =	wrdreg s5  }
0xf: {  	s22 =	simm.s32 $0x1;
	s26 =	sadd.s32 $0x16800, s6;
	[dreg:$0x6] =	wrdreg s0  }
0x10: {  	s1 =	sadd.s32 s4, s1;
	s28 =	sadd.s32 $0x17C00, s6;
	[dreg:$0x7] =	wrdreg s26  }
0x11: {  	s5 =	sadd.s32 s23, s4;
	[dreg:$0x8] =	wrdreg s28;
	s30 =	sadd.s32 $0x1400, s1  }
0x12: {  	s1 =	simm.s32 $0x12400;
	s26 =	simm.s32 $0x2;
	s23 =	simm.s32 $0xC400  }
0x13: {  	s0 =	sadd.s32 s24, s5;
	[dreg:$0x4] =	wrdreg s30;
	s24 =	simm.s32 $0x3  }
0x14: {  	s5 =	simm.s32 $0x0;
	[dreg:$0x3] =	wrdreg s0;
	s0 =	simm.s32 $0x13400  }
.LBB2_1:
0x15: {  	[dreg:$0x9] =	wrdreg s5  }
0x16: {  	s4 =	rddreg [dreg:$0x5];
	s7 =	simm.s32 $0x4  }
0x17: {  	[tilespmem:s2], [sflag:$0x4] =	stream.linear.gather [hbm4b:s4+s2], $0x6400, $0x38;
	[tilespmem:$0x1A400] =	vst v63  }
0x18: {  	_ =	swait.ge [sflag:s7], $0x6400  }
0x19: {  	[sflag:s7] =	ssyncset.done $0x0  }
0x1a: {  	[sflag:s7] =	ssyncadd.s32 $0xFFFF9C00  }
0x1b: {  	[tilespmem:s10], [sflag:$0x1] =	stream.indirect.gather [hbm4b:s3+s9], $0x20, s2, s9, $0xb8;
	[tilespmem:$0x1A400] =	vst v63  }
0x1c: {  	s5 =	simm.s32 $0x7400  }
0x1d: {  	[tilespmem:s5], [sflag:$0x1] =	stream.indirect.gather [hbm4b:s3+s9], $0x20, s9, s9, $0xb8;
	[tilespmem:$0x1A400] =	vst v63  }
0x1e: {  	s8 =	simm.s32 $0x100;
	s6 =	simm.s32 $0x8400  }
0x1f: {  	[tilespmem:s6], [sflag:$0x1] =	stream.indirect.gather [hbm4b:s3+s9], $0x20, s8, s9, $0xb8;
	[tilespmem:$0x1A400] =	vst v63  }
0x20: {  	s11 =	simm.s32 $0x180;
	s7 =	simm.s32 $0x9400  }
0x21: {  	[tilespmem:s7], [sflag:$0x1] =	stream.indirect.gather [hbm4b:s3+s9], $0x20, s11, s9, $0xb8;
	[tilespmem:$0x1A400] =	vst v63  }
0x22: {  	s15 =	simm.s32 $0x200;
	s8 =	simm.s32 $0xA400  }
0x23: {  	[tilespmem:s8], [sflag:$0x1] =	stream.indirect.gather [hbm4b:s3+s9], $0x20, s15, s9, $0xb8;
	[tilespmem:$0x1A400] =	vst v63  }
0x24: {  	s25 =	simm.s32 $0x280;
	s11 =	simm.s32 $0xB400  }
0x25: {  	[tilespmem:s11], [sflag:$0x1] =	stream.indirect.gather [hbm4b:s3+s9], $0x20, s25, s9, $0xb8;
	[tilespmem:$0x1A400] =	vst v63  }
0x26: {  	s15 =	simm.s32 $0x300;
	s25 =	simm.s32 $0xC400  }
0x27: {  	[tilespmem:s25], [sflag:$0x1] =	stream.indirect.gather [hbm4b:s3+s9], $0x20, s15, s9, $0xb8;
	[tilespmem:$0x1A400] =	vst v63  }
0x28: {  	s28 =	simm.s32 $0xD400;
	s15 =	simm.s32 $0x380  }
0x29: {  	[tilespmem:s28], [sflag:$0x1] =	stream.indirect.gather [hbm4b:s3+s9], $0x20, s15, s9, $0xb8;
	[tilespmem:$0x1A400] =	vst v63  }
0x2a: {  	s30 =	simm.s32 $0xE400;
	s15 =	simm.s32 $0x400  }
0x2b: {  	[tilespmem:s30], [sflag:$0x1] =	stream.indirect.gather [hbm4b:s3+s9], $0x20, s15, s9, $0xb8;
	[tilespmem:$0x1A400] =	vst v63  }
0x2c: {  	s4 =	simm.s32 $0x480;
	s15 =	simm.s32 $0xF400  }
0x2d: {  	[tilespmem:s15], [sflag:$0x1] =	stream.indirect.gather [hbm4b:s3+s9], $0x20, s4, s9, $0xb8;
	[tilespmem:$0x1A400] =	vst v63  }
0x2e: {  	s15 =	simm.s32 $0x500  }
0x2f: {  	[tilespmem:s29], [sflag:$0x2] =	stream.indirect.gather [hbm4b:s3+s9], $0x20, s15, s9, $0xb8;
	[tilespmem:$0x1A400] =	vst v63  }
0x30: {  	s15 =	simm.s32 $0x580  }
0x31: {  	[tilespmem:s31], [sflag:$0x2] =	stream.indirect.gather [hbm4b:s3+s9], $0x20, s15, s9, $0xb8;
	[tilespmem:$0x1A400] =	vst v63  }
0x32: {  	s15 =	simm.s32 $0x600  }
0x33: {  	[tilespmem:s1], [sflag:$0x2] =	stream.indirect.gather [hbm4b:s3+s9], $0x20, s15, s9, $0xb8;
	[tilespmem:$0x1A400] =	vst v63  }
0x34: {  	s15 =	simm.s32 $0x680  }
0x35: {  	[tilespmem:s0], [sflag:$0x2] =	stream.indirect.gather [hbm4b:s3+s9], $0x20, s15, s9, $0xb8;
	[tilespmem:$0x1A400] =	vst v63  }
0x36: {  	s15 =	simm.s32 $0x700  }
0x37: {  	[tilespmem:s12], [sflag:$0x2] =	stream.indirect.gather [hbm4b:s3+s9], $0x20, s15, s9, $0xb8;
	[tilespmem:$0x1A400] =	vst v63  }
0x38: {  	s15 =	simm.s32 $0x780  }
0x39: {  	[tilespmem:s14], [sflag:$0x2] =	stream.indirect.gather [hbm4b:s3+s9], $0x20, s15, s9, $0xb8;
	[tilespmem:$0x1A400] =	vst v63  }
0x3a: {  	s15 =	simm.s32 $0x800  }
0x3b: {  	[tilespmem:s16], [sflag:$0x2] =	stream.indirect.gather [hbm4b:s3+s9], $0x20, s15, s9, $0xb8;
	[tilespmem:$0x1A400] =	vst v63  }
0x3c: {  	s15 =	simm.s32 $0x880  }
0x3d: {  	[tilespmem:s18], [sflag:$0x2] =	stream.indirect.gather [hbm4b:s3+s9], $0x20, s15, s9, $0xb8;
	[tilespmem:$0x1A400] =	vst v63  }
0x3e: {  	s15 =	simm.s32 $0x900  }
0x3f: {  	[tilespmem:s20], [sflag:$0x2] =	stream.indirect.gather [hbm4b:s3+s9], $0x20, s15, s9, $0xb8;
	[tilespmem:$0x1A400] =	vst v63  }
0x40: {  	s15 =	simm.s32 $0x980  }
0x41: {  	[tilespmem:s13], [sflag:$0x2] =	stream.indirect.gather [hbm4b:s3+s9], $0x20, s15, s9, $0xb8;
	[tilespmem:$0x1A400] =	vst v63  }
0x42: {  	_ =	swait.ge [sflag:s22], $0xA000  }
0x43: {  	s15 =	rddreg [dreg:$0x3];
	[sflag:s22] =	ssyncset.done $0x0  }
0x44: {  	[sflag:s22] =	ssyncadd.s32 $0xFFFF6000;
	s4 =	sadd.s32 $0x0, s15  }
0x45: {  	[hbm4b:s4+s2] =	stream.linear.scatter [tilespmem:s10], [sflag:$0x3], $0xA000, $0x38;
	[tilespmem:$0x1A400] =	vst v63  }
0x46: {  	_ =	swait.ge [sflag:s24], $0xA000  }
0x47: {  	[sflag:s24] =	ssyncset.done $0x0  }
0x48: {  	s15 =	simm.s32 $0xA00;
	[sflag:s24] =	ssyncadd.s32 $0xFFFF6000  }
0x49: {  	[tilespmem:s10], [sflag:$0x1] =	stream.indirect.gather [hbm4b:s3+s9], $0x20, s15, s9, $0xb8;
	[tilespmem:$0x1A400] =	vst v63  }
0x4a: {  	s15 =	simm.s32 $0xA80  }
0x4b: {  	[tilespmem:s5], [sflag:$0x1] =	stream.indirect.gather [hbm4b:s3+s9], $0x20, s15, s9, $0xb8;
	[tilespmem:$0x1A400] =	vst v63  }
0x4c: {  	s5 =	simm.s32 $0xB00  }
0x4d: {  	[tilespmem:s6], [sflag:$0x1] =	stream.indirect.gather [hbm4b:s3+s9], $0x20, s5, s9, $0xb8;
	[tilespmem:$0x1A400] =	vst v63  }
0x4e: {  	s6 =	simm.s32 $0xB80  }
0x4f: {  	[tilespmem:s7], [sflag:$0x1] =	stream.indirect.gather [hbm4b:s3+s9], $0x20, s6, s9, $0xb8;
	[tilespmem:$0x1A400] =	vst v63  }
0x50: {  	s7 =	simm.s32 $0xC00  }
0x51: {  	[tilespmem:s8], [sflag:$0x1] =	stream.indirect.gather [hbm4b:s3+s9], $0x20, s7, s9, $0xb8;
	[tilespmem:$0x1A400] =	vst v63  }
0x52: {  	s8 =	simm.s32 $0xC80  }
0x53: {  	[tilespmem:s11], [sflag:$0x1] =	stream.indirect.gather [hbm4b:s3+s9], $0x20, s8, s9, $0xb8;
	[tilespmem:$0x1A400] =	vst v63  }
0x54: {  	s11 =	simm.s32 $0xD00  }
0x55: {  	[tilespmem:s25], [sflag:$0x1] =	stream.indirect.gather [hbm4b:s3+s9], $0x20, s11, s9, $0xb8;
	[tilespmem:$0x1A400] =	vst v63  }
0x56: {  	s5 =	simm.s32 $0xD80  }
0x57: {  	[tilespmem:s28], [sflag:$0x1] =	stream.indirect.gather [hbm4b:s3+s9], $0x20, s5, s9, $0xb8;
	[tilespmem:$0x1A400] =	vst v63  }
0x58: {  	s6 =	simm.s32 $0xE00  }
0x59: {  	[tilespmem:s30], [sflag:$0x1] =	stream.indirect.gather [hbm4b:s3+s9], $0x20, s6, s9, $0xb8;
	[tilespmem:$0x1A400] =	vst v63  }
0x5a: {  	s7 =	simm.s32 $0xE80;
	s8 =	simm.s32 $0xF400  }
0x5b: {  	[tilespmem:s8], [sflag:$0x1] =	stream.indirect.gather [hbm4b:s3+s9], $0x20, s7, s9, $0xb8;
	[tilespmem:$0x1A400] =	vst v63  }
0x5c: {  	s15 =	simm.s32 $0x8400;
	_ =	swait.ge [sflag:s26], $0xA000  }
0x5d: {  	s25 =	simm.s32 $0xD400;
	s11 =	rddreg [dreg:$0x4];
	[sflag:s26] =	ssyncset.done $0x0  }
0x5e: {  	s28 =	simm.s32 $0xE400;
	[sflag:s26] =	ssyncadd.s32 $0xFFFF6000;
	s4 =	sadd.s32 $0x0, s11  }
0x5f: {  	[hbm4b:s4+s2] =	stream.linear.scatter [tilespmem:s29], [sflag:$0x3], $0xA000, $0x38;
	[tilespmem:$0x1A400] =	vst v63  }
0x60: {  	s5 =	simm.s32 $0x2800;
	s30 =	simm.s32 $0xF400;
	_ =	swait.ge [sflag:s24], $0xA000  }
0x61: {  	s6 =	simm.s32 $0xA00;
	s7 =	simm.s32 $0x5000;
	[sflag:s24] =	ssyncset.done $0x0  }
.LBB2_2:
0x62: {  	s11 =	sadd.s32 $0x500, s6;
	[sflag:s24] =	ssyncadd.s32 $0xFFFF6000  }
0x63: {  	[tilespmem:s29], [sflag:$0x2] =	stream.indirect.gather [hbm4b:s3+s9], $0x20, s11, s9, $0xb8;
	[tilespmem:$0x1A400] =	vst v63  }
0x64: {  	s11 =	sadd.s32 $0x580, s6  }
0x65: {  	[tilespmem:s31], [sflag:$0x2] =	stream.indirect.gather [hbm4b:s3+s9], $0x20, s11, s9, $0xb8;
	[tilespmem:$0x1A400] =	vst v63  }
0x66: {  	s11 =	sadd.s32 $0x600, s6  }
0x67: {  	[tilespmem:s1], [sflag:$0x2] =	stream.indirect.gather [hbm4b:s3+s9], $0x20, s11, s9, $0xb8;
	[tilespmem:$0x1A400] =	vst v63  }
0x68: {  	s11 =	sadd.s32 $0x680, s6  }
0x69: {  	[tilespmem:s0], [sflag:$0x2] =	stream.indirect.gather [hbm4b:s3+s9], $0x20, s11, s9, $0xb8;
	[tilespmem:$0x1A400] =	vst v63  }
0x6a: {  	s11 =	sadd.s32 $0x700, s6  }
0x6b: {  	[tilespmem:s12], [sflag:$0x2] =	stream.indirect.gather [hbm4b:s3+s9], $0x20, s11, s9, $0xb8;
	[tilespmem:$0x1A400] =	vst v63  }
0x6c: {  	s11 =	sadd.s32 $0x780, s6  }
0x6d: {  	[tilespmem:s14], [sflag:$0x2] =	stream.indirect.gather [hbm4b:s3+s9], $0x20, s11, s9, $0xb8;
	[tilespmem:$0x1A400] =	vst v63  }
0x6e: {  	s11 =	sadd.s32 $0x800, s6  }
0x6f: {  	[tilespmem:s16], [sflag:$0x2] =	stream.indirect.gather [hbm4b:s3+s9], $0x20, s11, s9, $0xb8;
	[tilespmem:$0x1A400] =	vst v63  }
0x70: {  	s11 =	sadd.s32 $0x880, s6  }
0x71: {  	[tilespmem:s18], [sflag:$0x2] =	stream.indirect.gather [hbm4b:s3+s9], $0x20, s11, s9, $0xb8;
	[tilespmem:$0x1A400] =	vst v63  }
0x72: {  	s11 =	sadd.s32 $0x900, s6  }
0x73: {  	[tilespmem:s20], [sflag:$0x2] =	stream.indirect.gather [hbm4b:s3+s9], $0x20, s11, s9, $0xb8;
	[tilespmem:$0x1A400] =	vst v63  }
0x74: {  	s11 =	sadd.s32 $0x980, s6  }
0x75: {  	[tilespmem:s13], [sflag:$0x2] =	stream.indirect.gather [hbm4b:s3+s9], $0x20, s11, s9, $0xb8;
	[tilespmem:$0x1A400] =	vst v63  }
0x76: {  	s8 =	smov.u32 s7;
	_ =	swait.ge [sflag:s22], $0xA000  }
0x77: {  	s4 =	sadd.s32 $0x2800, s7;
	s11 =	rddreg [dreg:$0x3];
	[sflag:s22] =	ssyncset.done $0x0  }
0x78: {  	p0 =	sne.s32 s7, $0x14000;
	[sflag:s22] =	ssyncadd.s32 $0xFFFF6000;
	s7 =	sadd.s32 s5, s11  }
0x79: {  	[hbm4b:s7+s2] =	stream.linear.scatter [tilespmem:s10], [sflag:$0x3], $0xA000, $0x38;
	[tilespmem:$0x1A400] =	vst v63  }
0x7a: {  	_ =	swait.ge [sflag:s24], $0xA000  }
0x7b: {  	[sflag:s24] =	ssyncset.done $0x0  }
0x7c: {  	s11 =	sadd.s32 $0xA00, s6;
	[sflag:s24] =	ssyncadd.s32 $0xFFFF6000  }
0x7d: {  	[tilespmem:s10], [sflag:$0x1] =	stream.indirect.gather [hbm4b:s3+s9], $0x20, s11, s9, $0xb8;
	[tilespmem:$0x1A400] =	vst v63  }
0x7e: {  	s7 =	sadd.s32 $0xA80, s6;
	s11 =	simm.s32 $0x7400  }
0x7f: {  	[tilespmem:s11], [sflag:$0x1] =	stream.indirect.gather [hbm4b:s3+s9], $0x20, s7, s9, $0xb8;
	[tilespmem:$0x1A400] =	vst v63  }
0x80: {  	s11 =	sadd.s32 $0xB00, s6  }
0x81: {  	[tilespmem:s15], [sflag:$0x1] =	stream.indirect.gather [hbm4b:s3+s9], $0x20, s11, s9, $0xb8;
	[tilespmem:$0x1A400] =	vst v63  }
0x82: {  	s11 =	sadd.s32 $0xB80, s6  }
0x83: {  	[tilespmem:s17], [sflag:$0x1] =	stream.indirect.gather [hbm4b:s3+s9], $0x20, s11, s9, $0xb8;
	[tilespmem:$0x1A400] =	vst v63  }
0x84: {  	s11 =	sadd.s32 $0xC00, s6  }
0x85: {  	[tilespmem:s19], [sflag:$0x1] =	stream.indirect.gather [hbm4b:s3+s9], $0x20, s11, s9, $0xb8;
	[tilespmem:$0x1A400] =	vst v63  }
0x86: {  	s11 =	sadd.s32 $0xC80, s6  }
0x87: {  	[tilespmem:s21], [sflag:$0x1] =	stream.indirect.gather [hbm4b:s3+s9], $0x20, s11, s9, $0xb8;
	[tilespmem:$0x1A400] =	vst v63  }
0x88: {  	s11 =	sadd.s32 $0xD00, s6  }
0x89: {  	[tilespmem:s23], [sflag:$0x1] =	stream.indirect.gather [hbm4b:s3+s9], $0x20, s11, s9, $0xb8;
	[tilespmem:$0x1A400] =	vst v63  }
0x8a: {  	s11 =	sadd.s32 $0xD80, s6  }
0x8b: {  	[tilespmem:s25], [sflag:$0x1] =	stream.indirect.gather [hbm4b:s3+s9], $0x20, s11, s9, $0xb8;
	[tilespmem:$0x1A400] =	vst v63  }
0x8c: {  	s11 =	sadd.s32 $0xE00, s6  }
0x8d: {  	[tilespmem:s28], [sflag:$0x1] =	stream.indirect.gather [hbm4b:s3+s9], $0x20, s11, s9, $0xb8;
	[tilespmem:$0x1A400] =	vst v63  }
0x8e: {  	s7 =	sadd.s32 $0xE80, s6  }
0x8f: {  	[tilespmem:s30], [sflag:$0x1] =	stream.indirect.gather [hbm4b:s3+s9], $0x20, s7, s9, $0xb8;
	[tilespmem:$0x1A400] =	vst v63  }
0x90: {  	_ =	swait.ge [sflag:s26], $0xA000  }
.Ltmp0:
0x91: {  	s11 =	rddreg [dreg:$0x4];
	[sflag:s26] =	ssyncset.done $0x0;
	(pc) =	sbr.rel @p0 .LBB2_2-.Ltmp0, $4  }
0x92: {  	[sflag:s26] =	ssyncadd.s32 $0xFFFF6000;
	s6 =	sadd.s32 s5, s11  }
0x93: {  	[hbm4b:s6+s2] =	stream.linear.scatter [tilespmem:s29], [sflag:$0x3], $0xA000, $0x38;
	[tilespmem:$0x1A400] =	vst v63  }
0x94: {  	s5 =	smov.u32 s8;
	_ =	swait.ge [sflag:s24], $0xA000  }
0x95: {  	s7 =	smov.u32 s4;
	s6 =	sshra.s32 s5, $0x2;
	[sflag:s24] =	ssyncset.done $0x0  }
0x96: {  	s4 =	sadd.s32 $0x500, s6;
	[sflag:s24] =	ssyncadd.s32 $0xFFFF6000  }
0x97: {  	[tilespmem:s29], [sflag:$0x2] =	stream.indirect.gather [hbm4b:s3+s9], $0x20, s4, s9, $0xb8;
	[tilespmem:$0x1A400] =	vst v63  }
0x98: {  	s16 =	sadd.s32 $0x580, s6;
	s0 =	simm.s32 $0x11400  }
0x99: {  	[tilespmem:s0], [sflag:$0x2] =	stream.indirect.gather [hbm4b:s3+s9], $0x20, s16, s9, $0xb8;
	[tilespmem:$0x1A400] =	vst v63  }
0x9a: {  	s18 =	sadd.s32 $0x600, s6;
	s12 =	simm.s32 $0x12400  }
0x9b: {  	[tilespmem:s12], [sflag:$0x2] =	stream.indirect.gather [hbm4b:s3+s9], $0x20, s18, s9, $0xb8;
	[tilespmem:$0x1A400] =	vst v63  }
0x9c: {  	s20 =	sadd.s32 $0x680, s6;
	s14 =	simm.s32 $0x13400  }
0x9d: {  	[tilespmem:s14], [sflag:$0x2] =	stream.indirect.gather [hbm4b:s3+s9], $0x20, s20, s9, $0xb8;
	[tilespmem:$0x1A400] =	vst v63  }
0x9e: {  	s1 =	sadd.s32 $0x700, s6;
	s16 =	simm.s32 $0x14400  }
0x9f: {  	[tilespmem:s16], [sflag:$0x2] =	stream.indirect.gather [hbm4b:s3+s9], $0x20, s1, s9, $0xb8;
	[tilespmem:$0x1A400] =	vst v63  }
0xa0: {  	s7 =	sadd.s32 $0x780, s6;
	s18 =	simm.s32 $0x15400  }
0xa1: {  	[tilespmem:s18], [sflag:$0x2] =	stream.indirect.gather [hbm4b:s3+s9], $0x20, s7, s9, $0xb8;
	[tilespmem:$0x1A400] =	vst v63  }
0xa2: {  	s8 =	sadd.s32 $0x800, s6;
	s13 =	simm.s32 $0x16400  }
0xa3: {  	[tilespmem:s13], [sflag:$0x2] =	stream.indirect.gather [hbm4b:s3+s9], $0x20, s8, s9, $0xb8;
	[tilespmem:$0x1A400] =	vst v63  }
0xa4: {  	s11 =	sadd.s32 $0x880, s6;
	s7 =	simm.s32 $0x17400  }
0xa5: {  	[tilespmem:s7], [sflag:$0x2] =	stream.indirect.gather [hbm4b:s3+s9], $0x20, s11, s9, $0xb8;
	[tilespmem:$0x1A400] =	vst v63  }
0xa6: {  	s20 =	sadd.s32 $0x900, s6;
	s8 =	simm.s32 $0x18400  }
0xa7: {  	[tilespmem:s8], [sflag:$0x2] =	stream.indirect.gather [hbm4b:s3+s9], $0x20, s20, s9, $0xb8;
	[tilespmem:$0x1A400] =	vst v63  }
0xa8: {  	s1 =	sadd.s32 $0x980, s6;
	s11 =	simm.s32 $0x19400  }
0xa9: {  	[tilespmem:s11], [sflag:$0x2] =	stream.indirect.gather [hbm4b:s3+s9], $0x20, s1, s9, $0xb8;
	[tilespmem:$0x1A400] =	vst v63  }
0xaa: {  	_ =	swait.ge [sflag:s22], $0xA000  }
0xab: {  	s20 =	rddreg [dreg:$0x3];
	[sflag:s22] =	ssyncset.done $0x0  }
0xac: {  	[sflag:s22] =	ssyncadd.s32 $0xFFFF6000;
	s4 =	sadd.s32 s5, s20  }
0xad: {  	[hbm4b:s4+s2] =	stream.linear.scatter [tilespmem:s10], [sflag:$0x3], $0xA000, $0x38;
	[tilespmem:$0x1A400] =	vst v63  }
0xae: {  	_ =	swait.ge [sflag:s24], $0xA000  }
0xaf: {  	[sflag:s24] =	ssyncset.done $0x0  }
0xb0: {  	s1 =	sadd.s32 $0xA00, s6;
	[sflag:s24] =	ssyncadd.s32 $0xFFFF6000  }
0xb1: {  	[tilespmem:s10], [sflag:$0x1] =	stream.indirect.gather [hbm4b:s3+s9], $0x20, s1, s9, $0xb8;
	[tilespmem:$0x1A400] =	vst v63  }
0xb2: {  	s20 =	sadd.s32 $0xA80, s6;
	s1 =	simm.s32 $0x7400  }
0xb3: {  	[tilespmem:s1], [sflag:$0x1] =	stream.indirect.gather [hbm4b:s3+s9], $0x20, s20, s9, $0xb8;
	[tilespmem:$0x1A400] =	vst v63  }
0xb4: {  	s1 =	sadd.s32 $0xB00, s6  }
0xb5: {  	[tilespmem:s15], [sflag:$0x1] =	stream.indirect.gather [hbm4b:s3+s9], $0x20, s1, s9, $0xb8;
	[tilespmem:$0x1A400] =	vst v63  }
0xb6: {  	s15 =	sadd.s32 $0xB80, s6  }
0xb7: {  	[tilespmem:s17], [sflag:$0x1] =	stream.indirect.gather [hbm4b:s3+s9], $0x20, s15, s9, $0xb8;
	[tilespmem:$0x1A400] =	vst v63  }
0xb8: {  	s20 =	sadd.s32 $0xC00, s6  }
0xb9: {  	[tilespmem:s19], [sflag:$0x1] =	stream.indirect.gather [hbm4b:s3+s9], $0x20, s20, s9, $0xb8;
	[tilespmem:$0x1A400] =	vst v63  }
0xba: {  	s1 =	sadd.s32 $0xC80, s6  }
0xbb: {  	[tilespmem:s21], [sflag:$0x1] =	stream.indirect.gather [hbm4b:s3+s9], $0x20, s1, s9, $0xb8;
	[tilespmem:$0x1A400] =	vst v63  }
0xbc: {  	s15 =	sadd.s32 $0xD00, s6  }
0xbd: {  	[tilespmem:s23], [sflag:$0x1] =	stream.indirect.gather [hbm4b:s3+s9], $0x20, s15, s9, $0xb8;
	[tilespmem:$0x1A400] =	vst v63  }
0xbe: {  	s20 =	sadd.s32 $0xD80, s6  }
0xbf: {  	[tilespmem:s25], [sflag:$0x1] =	stream.indirect.gather [hbm4b:s3+s9], $0x20, s20, s9, $0xb8;
	[tilespmem:$0x1A400] =	vst v63  }
0xc0: {  	s25 =	sadd.s32 $0xE00, s6  }
0xc1: {  	[tilespmem:s28], [sflag:$0x1] =	stream.indirect.gather [hbm4b:s3+s9], $0x20, s25, s9, $0xb8;
	[tilespmem:$0x1A400] =	vst v63  }
0xc2: {  	s28 =	sadd.s32 $0xE80, s6  }
0xc3: {  	[tilespmem:s30], [sflag:$0x1] =	stream.indirect.gather [hbm4b:s3+s9], $0x20, s28, s9, $0xb8;
	[tilespmem:$0x1A400] =	vst v63  }
0xc4: {  	_ =	swait.ge [sflag:s26], $0xA000  }
0xc5: {  	s1 =	rddreg [dreg:$0x4];
	[sflag:s26] =	ssyncset.done $0x0  }
0xc6: {  	s4 =	sadd.s32 s5, s1;
	[sflag:s26] =	ssyncadd.s32 $0xFFFF6000  }
0xc7: {  	[hbm4b:s4+s2] =	stream.linear.scatter [tilespmem:s29], [sflag:$0x3], $0xA000, $0x38;
	[tilespmem:$0x1A400] =	vst v63  }
0xc8: {  	_ =	swait.ge [sflag:s24], $0xA000  }
0xc9: {  	[sflag:s24] =	ssyncset.done $0x0  }
0xca: {  	s6 =	simm.s32 $0x5F00;
	[sflag:s24] =	ssyncadd.s32 $0xFFFF6000  }
0xcb: {  	[tilespmem:s29], [sflag:$0x2] =	stream.indirect.gather [hbm4b:s3+s9], $0x20, s6, s9, $0xb8;
	[tilespmem:$0x1A400] =	vst v63  }
0xcc: {  	s15 =	simm.s32 $0x5F80  }
0xcd: {  	[tilespmem:s0], [sflag:$0x2] =	stream.indirect.gather [hbm4b:s3+s9], $0x20, s15, s9, $0xb8;
	[tilespmem:$0x1A400] =	vst v63  }
0xce: {  	s20 =	simm.s32 $0x6000  }
0xcf: {  	[tilespmem:s12], [sflag:$0x2] =	stream.indirect.gather [hbm4b:s3+s9], $0x20, s20, s9, $0xb8;
	[tilespmem:$0x1A400] =	vst v63  }
0xd0: {  	s25 =	simm.s32 $0x6080  }
0xd1: {  	[tilespmem:s14], [sflag:$0x2] =	stream.indirect.gather [hbm4b:s3+s9], $0x20, s25, s9, $0xb8;
	[tilespmem:$0x1A400] =	vst v63  }
0xd2: {  	s28 =	simm.s32 $0x6100  }
0xd3: {  	[tilespmem:s16], [sflag:$0x2] =	stream.indirect.gather [hbm4b:s3+s9], $0x20, s28, s9, $0xb8;
	[tilespmem:$0x1A400] =	vst v63  }
0xd4: {  	s30 =	simm.s32 $0x6180  }
0xd5: {  	[tilespmem:s18], [sflag:$0x2] =	stream.indirect.gather [hbm4b:s3+s9], $0x20, s30, s9, $0xb8;
	[tilespmem:$0x1A400] =	vst v63  }
0xd6: {  	s5 =	simm.s32 $0x6200  }
0xd7: {  	[tilespmem:s13], [sflag:$0x2] =	stream.indirect.gather [hbm4b:s3+s9], $0x20, s5, s9, $0xb8;
	[tilespmem:$0x1A400] =	vst v63  }
0xd8: {  	s6 =	simm.s32 $0x6280  }
0xd9: {  	[tilespmem:s7], [sflag:$0x2] =	stream.indirect.gather [hbm4b:s3+s9], $0x20, s6, s9, $0xb8;
	[tilespmem:$0x1A400] =	vst v63  }
0xda: {  	s7 =	simm.s32 $0x6300  }
0xdb: {  	[tilespmem:s8], [sflag:$0x2] =	stream.indirect.gather [hbm4b:s3+s9], $0x20, s7, s9, $0xb8;
	[tilespmem:$0x1A400] =	vst v63  }
0xdc: {  	s8 =	simm.s32 $0x6380  }
0xdd: {  	[tilespmem:s11], [sflag:$0x2] =	stream.indirect.gather [hbm4b:s3+s9], $0x20, s8, s9, $0xb8;
	[tilespmem:$0x1A400] =	vst v63  }
0xde: {  	_ =	swait.ge [sflag:s22], $0xA000  }
0xdf: {  	[sflag:s22] =	ssyncset.done $0x0  }
0xe0: {  	s15 =	rddreg [dreg:$0x7];
	[sflag:s22] =	ssyncadd.s32 $0xFFFF6000  }
0xe1: {  	[hbm4b:s15+s2] =	stream.linear.scatter [tilespmem:s10], [sflag:$0x3], $0xA000, $0x38;
	[tilespmem:$0x1A400] =	vst v63  }
0xe2: {  	_ =	swait.ge [sflag:s24], $0xA000  }
0xe3: {  	[sflag:s24] =	ssyncset.done $0x0  }
0xe4: {  	[sflag:s24] =	ssyncadd.s32 $0xFFFF6000  }
0xe5: {  	_ =	swait.ge [sflag:s26], $0xA000  }
0xe6: {  	[sflag:s26] =	ssyncset.done $0x0  }
0xe7: {  	s25 =	rddreg [dreg:$0x8];
	[sflag:s26] =	ssyncadd.s32 $0xFFFF6000  }
0xe8: {  	[hbm4b:s25+s2] =	stream.linear.scatter [tilespmem:s29], [sflag:$0x3], $0xA000, $0x38;
	[tilespmem:$0x1A400] =	vst v63  }
0xe9: {  	_ =	swait.ge [sflag:s24], $0xA000  }
0xea: {  	s28 =	rddreg [dreg:$0x9]  }
0xeb: {  	s30 =	rddreg [dreg:$0x6];
	s5 =	sadd.s32 $0x1, s28  }
0xec: {  	p0 =	sne.s32 s5, s30  }
.Ltmp1:
0xed: {  	_ = 	snop;
	(pc) =	sbr.rel @p0 .LBB2_1-.Ltmp1, $4  }
0xee: {  	s31 =	simm.s32 $0x11400;
	s1 =	simm.s32 $0x12400  }
0xef: {  	s0 =	simm.s32 $0x13400;
	s12 =	simm.s32 $0x14400;
	s20 =	simm.s32 $0x18400  }
0xf0: {  	s14 =	simm.s32 $0x15400;
	s16 =	simm.s32 $0x16400;
	[sflag:s24] =	ssyncset.done $0x0  }
0xf1: {  	s18 =	simm.s32 $0x17400;
	s13 =	simm.s32 $0x19400;
	[sflag:s24] =	ssyncadd.s32 $0xFFFF6000  }
0xf2: {  	_ =	sfence.sel $0x180000  }
0xf3: {  	[bflag:$0x0] =	sbarrier.arrive $0xFFFF  }
0xf4: {  	_ =	strace $0x90000047  }
0xf5: {  	s0 =	stileid.u32;
	[bflag:$0x2] =	sbarrier.arrive $0xFFFF  }
0xf6: {  	p0 =	sne.s32 s0, $0x0;
	s0 =	rddreg [dreg:$0x2]  }
0xf7: {  	s0 =	sadd.s32 @!p0 $0x100000, s0  }
0xf8: {  	[sflag:s0] =	ssyncadd.tile.s32 @!p0 $0x1;
	_ =	shalt  }
.Lfunc_end2:
_tile_overlayer_lowered:
.L_overlay_start_2:
0xf9: {  	(tag) =	ssettag $0x2  }
0xfa: {  	s0 =	rddreg [dreg:$0x0];
	s2 =	stileid.u32  }
0xfb: {  	s1 =	rddreg [dreg:$0x1];
	p0 =	sne.s32 s2, $0x0  }
0xfc: {  	s3 =	rddreg [dreg:$0x2];
	[bflag:$0x3] =	sbarrier.arrive $0xFFFF;
	s2 =	simm.s32 @!p0 $0x1C04  }
0xfd: {  	[timem:s3], [sflag:s2] =	dma.local @!p0 [hbm:s0], s1  }
0xfe: {  	s0 =	simm.s32 @!p0 $0x4  }
0xff: {  	_ =	swait.ge @!p0 [sflag:s0], s1  }
0x100: {  	s1 =	ssub.s32 @!p0 $0x0, s1;
	[sflag:s0] =	ssyncset.done @!p0 $0x0  }
0x101: {  	[sflag:s0] =	ssyncadd.s32 @!p0 s1  }
0x102: {  	[bflag:$0x3] =	sbarrier.arrive $0xFFFF  }
0x103: {  	_ =	shalt  }

// kernel: sparse-core-data-format-call.cloned.1.call-start
scs
called_computation_lowered:
.L_overlay_start_0:
0x0: {  	s2 =	sld [smem:$0x3FD9]  }
0x1: {  	s3 =	sld [smem:$0x3FFE];
	_ =	sdelay $0x1  }
0x2: {  	s1 =	srdreg.scid  }
0x3: {  	s0 =	sand.u32 $0x1, s1  }
0x4: {  	s18 =	sshll.u32 s0, $0xA;
	s2 =	sadd.s32 s3, s2  }
0x5: {  	s2 =	sadd.s32 s2, s18  }
0x6: {  	[smem:$0x3FC6] =	sst s2  }
0x7: {  	_ = 	snop  }
0x8: {  	s2 =	sld [smem:$0x3FD0];
	(tm) =	ssettm $0x1  }
0x9: {  	s19 =	sld [smem:$0x3FFB];
	_ =	sdelay $0x3  }
0xa: {  	_ =	strace s19  }
0xb: {  	s3 =	sld [smem:$0x3FFC];
	_ =	sdelay $0x3  }
0xc: {  	_ =	strace s3  }
0xd: {  	s3 =	sld [smem:$0x3FFD];
	_ =	sdelay $0x3  }
0xe: {  	_ =	strace s3  }
0xf: {  	_ =	strace $0x8FFFFFFF  }
0x10: {  	s20 =	sld [smem:$0x3FDB];
	_ =	sdelay $0x1  }
0x11: {  	s4 =	simm.s32 $_scs_section_size  }
0x12: {  	s5 =	simm.s32 $_size__tile_overlayer_lowered;
	s6 =	simm.s32 $_tile_overlayer_lowered  }
0x13: {  	s23 =	simm.s32 $0x1BFF;
	s22 =	sshll.u32 s6, $0x1;
	s3 =	sadd.s32 s4, s20  }
0x14: {  	s7 =	simm.s32 $0x0;
	s21 =	sshll.u32 s5, $0x1;
	s5 =	sadd.s32 s22, s3  }
0x15: {  	[timem:s7], [sflag:s23] =	dma.local [hbm:s5], s21  }
0x16: {  	_ =	swait.ge [sflag:s23], s21  }
0x17: {  	s4 =	ssub.s32 $0x0, s21;
	[sflag:s23] =	ssyncset.done $0x0  }
0x18: {  	[sflag:s23] =	ssyncadd.s32 s4;
	_ =	sdelay $0x1  }
0x19: {  	s24 =	simm.s32 $0x1B8B  }
0x1a: {  	_ =	swait.ge [sflag:s24], $0x1  }
0x1b: {  	[sflag:s24] =	ssyncset.done $0x0  }
0x1c: {  	s26 =	simm.s32 $0x1B8E;
	s25 =	sld [smem:$0x3FFE];
	[sflag:s24] =	ssyncadd.s32 $0xFFFFFFFF  }
0x1d: {  	s27 =	simm.s32 $execute0_lowered;
	[smem:$0x3FD2] =	sst s26  }
0x1e: {  	s5 =	sshll.u32 s27, $0x1;
	_ =	strace $0x80000049;
	[dreg:$0x1] =	wrdreg $0xFFFFFFFF  }
0x1f: {  	s28 =	simm.s32 $_size_execute0_lowered;
	s3 =	sadd.s32 s3, s5;
	[dreg:$0x0] =	wrdreg $0x0  }
0x20: {  	s5 =	sshll.u32 s28, $0x1;
	[dreg:$0x2] =	wrdreg s3  }
0x21: {  	[dreg:$0x3] =	wrdreg s5  }
0x22: {  	[dreg:$0x4] =	wrdreg $0xC0  }
0x23: {  	_ =	task [dreg:s7], $0x5FFFF  }
0x24: {  	[dreg:$0x1] =	wrdreg $0xFFFFFFFF  }
0x25: {  	[dreg:$0x0] =	wrdreg $0x60  }
0x26: {  	[dreg:$0x2] =	wrdreg s25  }
0x27: {  	[dreg:$0x3] =	wrdreg s2  }
0x28: {  	[dreg:$0x4] =	wrdreg $0x9  }
0x29: {  	_ =	task.clear_ibuf [dreg:s7], $0x5FFFF;
	_ =	strace $0x90000049  }
0x2a: {  	s29 =	simm.s32 $0x9;
	_ =	strace $0x8000004B  }
0x2b: {  	_ =	swait.ge [sflag:s29], $0x1  }
0x2c: {  	[sflag:s29] =	ssyncadd.s32 $0xFFFFFFFF  }
0x2d: {  	_ =	strace $0x9000004B  }
0x2e: {  	_ =	sfence  }
0x2f: {  	s30 =	sld [smem:$0x0];
	_ =	sdelay $0x2  }
0x30: {  	s31 =	sshll.u32 s1, $0xD;
	s1 =	sshrl.u32 s1, $0x2  }
0x31: {  	s3 =	sand.u32 $0x4000, s31;
	s1 =	sadd.s32 s1, s30  }
0x32: {  	s0 =	sor.u32 s3, s0;
	s1 =	sshll.u32 s1, $0x11  }
0x33: {  	s0 =	sor.u32 s1, s0  }
0x34: {  	s0 =	sadd.s32 $0x8F2B, s0  }
0x35: {  	[sflag:s0] =	ssyncadd.remote.s32 $0x1  }
0x36: {  	_ =	sfence.sel $0xFFFF  }
0x37: {  	[dreg:$0x0] =	wrdreg $0xFFFFFFFF;
	(pc) =	sbr.abs _section_cstart, $3  }
0x38: {  	[dreg:$0x1] =	wrdreg $0xFFFFFFFF  }
0x39: {  	_ =	task.clear_ibuf [dreg:s7], $0x2FFFF;
	_ =	strace $0x9FFFFFFF  }
0x3a: {  	(tm) =	ssettm $0x7FFFFFFF  }
0x3b: {  	_ =	shalt  }
tec
execute0_lowered:
.L_overlay_start_1:
0x0: {  	(tag) =	ssettag $0x1  }
0x1: {  	s0 =	srdreg.scid  }
0x2: {  	s1 =	sshll.u32 s0, $0x4  }
0x3: {  	s0 =	stileid.u32;
	s1 =	sand.u32 $0x10, s1  }
0x4: {  	s1 =	sor.u32 s0, s1  }
0x5: {  	s6 =	rddreg [dreg:$0x0];
	s4 =	simm.s32 $0x1;
	s2 =	sshll.u32 s1, $0x7  }
0x6: {  	s7 =	simm.s32 $0x2;
	s12 =	simm.s32 $0x0;
	s1 =	ssub.s32 $0x1000, s2  }
0x7: {  	s8 =	simm.s32 $0x8000;
	s13 =	simm.s32 $0x0;
	s3 =	sand.u32 $0xF80, s1  }
0x8: {  	s9 =	simm.s32 $0x0;
	s5 =	sshrl.u32 s1, $0xC;
	p0 =	sne.s32 s3, $0x0  }
.Ltmp0:
0x9: {  	s1 =	rddreg [dreg:$0x2];
	s4 =	simm.s32 @!p0 $0x0;
	(pc) =	sbr.rel .LBB1_1-.Ltmp0, $4  }
0xa: {  	s11 =	simm.s32 $0x0;
	s3 =	rddreg [dreg:$0x1];
	s5 =	sadd.s32 s4, s5  }
0xb: {  	_ =	strace $0x8000004A;
	s4 =	simm.s32 $0x1;
	s5 =	smul.u32 $0xC8, s5  }
0xc: {  	s6 =	sadd.s32 $0xA00, s6;
	s10 =	smov.u32 s2;
	[sflag:s4] =	ssyncpa.u1 $0x0  }
0xd: {  	p0 =	por $0x0, $0x0;
	[sflag:s7] =	ssyncpa.u1 $0x0;
	s7 =	sor.u32 $0x1, s5  }
.LBB1_4:
0xe: {  	s16 =	sshll.u32 s13, $0x3;
	s17 =	sand.u32 $0x78, s13  }
0xf: {  	s30 =	sand.u32 $0x3E00, s13;
	s12 =	sshll.u32 s12, $0xE;
	s16 =	sand.u32 $0xC00, s16  }
0x10: {  	s31 =	sand.u32 $0x7, s13;
	s16 =	sor.u32 s17, s16;
	s17 =	sadd.s32 s3, s30  }
0x11: {  	s13 =	sshll.u32 s31, $0x12;
	s16 =	sshrl.u32 s16, $0x3;
	s12 =	sadd.s32 s12, s17  }
0x12: {  	[tilespmem:s15+$0x0 ss:$0x81] =	vst.msk $0xffff, v0;
	s13 =	sor.u32 $0x400, s13;
	s12 =	sadd.s32 s16, s12  }
0x13: {  	[hbm4b:s12+s13] =	stream.strided.scatter [tilespmem:s14], [sflag:$0x2], $0x1000, s8, s13, $0x20;
	[tilespmem:$0x4040] =	vst v63  }
.LBB1_5:
0x14: {  	s14 =	sadd.s32 $0x1, s9  }
0x15: {  	s12 =	sadd.s32 $0x1000, s10;
	s16 =	smov.u32 s10;
	p2 =	sgt.s32 s14, $0xC7  }
0x16: {  	s16 =	smov.u32 @p2 s12  }
0x17: {  	s14 =	simm.s32 @p2 $0x0;
	p2 =	sgt.s32 s16, $0xFFF  }
0x18: {  	s16 =	smov.u32 @p2 s2;
	p2 =	sne.s32 s11, s7  }
.Ltmp1:
0x19: {  	p1 =	slt.u32 s11, $0x2;
	(pc) =	sbr.rel @!p2 .LBB1_6-.Ltmp1, $4  }
0x1a: {  	s15 =	simm.s32 @!p1 $0x2  }
0x1b: {  	s13 =	smov.u32 s10;
	p0 =	por !p0, !p0;
	_ =	swait.ge @!p1 [sflag:s15], $0x1000  }
0x1c: {  	s12 =	smov.u32 s9;
	[sflag:s15] =	ssyncset.done @!p1 $0x0;
	s9 =	smov.u32 s14  }
0x1d: {  	s11 =	sadd.s32 $0x1, s11;
	[sflag:s15] =	ssyncadd.s32 @!p1 $0xFFFFF000;
	s10 =	smov.u32 s16  }
.LBB1_1:
0x1e: {  	p1 =	sge.u32 s11, s5  }
0x1f: {  	s14 =	sand.u32 @!p1 $0x1FFFFFF, s9  }
0x20: {  	s15 =	smulhi.u32 @!p1 $0x147AE15, s14;
	_ =	sdelay $0x1  }
0x21: {  	s15 =	smul.u32 @!p1 $0xC8, s15  }
0x22: {  	s16 =	sxor.u32 @!p1 $0xFFFFFFFF, s11;
	s17 =	smul.u32 @!p1 $0xC80, s10  }
0x23: {  	s31 =	sadd.s32 $0xFFFFFFFF, s11;
	s16 =	sshll.u32 @!p1 s16, $0xC;
	s14 =	ssub.s32 @!p1 s14, s15  }
0x24: {  	s15 =	sand.u32 @!p1 $0x1000, s16;
	s16 =	sadd.s32 @!p1 s6, s17;
	s14 =	sshll.u32 @!p1 s14, $0x4  }
0x25: {  	s17 =	simm.s32 @!p1 $0x6400;
	s14 =	sadd.s32 @!p1 s14, s16;
	s16 =	simm.s32 @!p1 $0x20  }
0x26: {  	[tilespmem:s15], [sflag:$0x1] =	stream.strided.gather @!p1 [hbm4b:s14+s16], $0x1000, s17, s16, $0x38;
	[tilespmem:$0x4040] =	vst v63  }
0x27: {  	p1 =	sge.u32 s31, s5  }
.Ltmp2:
0x28: {  	_ = 	snop;
	(pc) =	sbr.rel @p1 .LBB1_5-.Ltmp2, $1  }
0x29: {  	_ =	sdelay $0x3  }
0x2a: {  	s14 =	simm.s32 $0x1  }
0x2b: {  	_ =	swait.ge [sflag:s4], $0x1000;
	s14 =	simm.s32 @!p0 $0x0  }
0x2c: {  	[sflag:s4] =	ssyncset.done $0x0;
	s15 =	sshll.u32 s14, $0xC  }
0x2d: {  	[sflag:s4] =	ssyncadd.s32 $0xFFFFF000;
	s18 =	sor.u32 $0x10, s15  }
0x2e: {  	s14 =	smul.u32 $0x4080, s14;
	v1 =	vld [tilespmem:s18+$0x0]  }
0x2f: {  	s30 =	sand.u32 $0x1, s11;
	v0 =	vld [tilespmem:s18+$0xFFFFFFF0]  }
0x30: {  	s15 =	smul.u32 $0x4080, s30;
	s14 =	sshrl.u32 s14, $0x2  }
0x31: {  	s16 =	sor.u32 $0x2000, s14  }
0x32: {  	s31 =	sshrl.u32 s15, $0x2;
	s15 =	sadd.s32 $0x0, s16  }
0x33: {  	s17 =	simm.s32 $0x4;
	s18 =	sadd.s32 $0x20, s18;
	s14 =	sor.u32 $0x2000, s31;
	[tilespmem:s15+$0x810 ss:$0x81] =	vst.msk $0xffff, v1  }
.LBB1_3:
0x34: {  	v1 =	vld [tilespmem:s18+$0x0];
	p1 =	sne.s32 s17, $0x1FC;
	[tilespmem:s15+$0x0 ss:$0x81] =	vst.msk $0xffff, v0;
	s15 =	smov.u32 s17;
	s17 =	sadd.s32 $0x4, s17  }
.Ltmp3:
0x35: {  	v0 =	vld [tilespmem:s18+$0xFFFFFFF0];
	(pc) =	sbr.rel @p1 .LBB1_3-.Ltmp3, $4  }
0x36: {  	_ = 	snop  }
0x37: {  	s15 =	sshra.s32 s15, $0x2  }
0x38: {  	s15 =	sadd.s32 s15, s16  }
0x39: {  	s18 =	sadd.s32 $0x20, s18;
	[tilespmem:s15+$0x810 ss:$0x81] =	vst.msk $0xffff, v1  }
.Ltmp4:
0x3a: {  	_ = 	snop;
	(pc) =	sbr.rel .LBB1_4-.Ltmp4, $1  }
0x3b: {  	_ =	sdelay $0x3  }
.LBB1_6:
0x3c: {  	_ =	sfence.sel $0x180000  }
0x3d: {  	s2 =	simm.s32 $0x1;
	[bflag:$0x0] =	sbarrier.arrive $0xFFFF  }
0x3e: {  	s31 =	simm.s32 $0x2;
	[sflag:s2] =	ssyncpa.u1 $0x1  }
0x3f: {  	[sflag:s31] =	ssyncpa.u1 $0x1  }
0x40: {  	p0 =	sne.s32 s0, $0x0;
	_ =	strace $0x9000004A  }
0x41: {  	s0 =	sadd.s32 @!p0 $0x100000, s1;
	[bflag:$0x2] =	sbarrier.arrive $0xFFFF  }
0x42: {  	[sflag:s0] =	ssyncadd.tile.s32 @!p0 $0x1;
	_ =	shalt  }
.Lfunc_end1:
_tile_overlayer_lowered:
.L_overlay_start_2:
0x43: {  	(tag) =	ssettag $0x2  }
0x44: {  	s0 =	rddreg [dreg:$0x0];
	s2 =	stileid.u32  }
0x45: {  	s1 =	rddreg [dreg:$0x1];
	p0 =	sne.s32 s2, $0x0  }
0x46: {  	s3 =	rddreg [dreg:$0x2];
	[bflag:$0x3] =	sbarrier.arrive $0xFFFF;
	s2 =	simm.s32 @!p0 $0x1C01  }
0x47: {  	[timem:s3], [sflag:s2] =	dma.local @!p0 [hbm:s0], s1  }
0x48: {  	s0 =	simm.s32 @!p0 $0x1  }
0x49: {  	_ =	swait.ge @!p0 [sflag:s0], s1  }
0x4a: {  	s1 =	ssub.s32 @!p0 $0x0, s1;
	[sflag:s0] =	ssyncset.done @!p0 $0x0  }
0x4b: {  	[sflag:s0] =	ssyncadd.s32 @!p0 s1  }
0x4c: {  	[bflag:$0x3] =	sbarrier.arrive $0xFFFF  }
0x4d: {  	_ =	shalt  }

</sc_bundles>
